<compile_context>
chip_gen: v7x
topology: tpu7x:2x2x1
jax: 0.10.2.dev20260603
libtpu: 0.0.44.dev20260713+nightly
codegen_flags: <defaults>
</compile_context>

<pallas_src>
import jax
import jax.numpy as jnp
from jax import lax
from jax.experimental import pallas as pl
from jax.experimental.pallas import tpu as pltpu
from jax.experimental.pallas import tpu_sc as plsc

_K = 26
_NEMBED = 32
_NHID = 128
_B = 16384
_D = _K * _NEMBED
_N = 1000000

_CHUNK = 16000
_QROWS = _CHUNK // 4
_NSLAB = 63 * _QROWS

_INFO = plsc.get_sparse_core_info()
_NC = _INFO.num_cores
_NS = _INFO.num_subcores
_NW = _NC * _NS
_CB = 8
_NCH = _B // (_NW * _CB)
_GR = _CB * _K


def _repack_body(x_ref, o_ref):
    x = x_ref[...]
    ys = [
        jnp.transpose(x[:, _QROWS * p:_QROWS * (p + 1)])
        for p in range(4)
    ]
    o_ref[...] = jnp.concatenate(ys, axis=1)


def _tc_repack(t_T):
    return pl.pallas_call(
        _repack_body,
        grid=(63,),
        in_specs=[pl.BlockSpec((32, _CHUNK), lambda i: (0, i))],
        out_specs=pl.BlockSpec((_QROWS, 128), lambda i: (i, 0)),
        out_shape=jax.ShapeDtypeStruct((_NSLAB, 128), jnp.float32),
    )(t_T)


def _sc_body(gc_hbm, oc_hbm, gv_hbm, ov_hbm, cnt_hbm, val_hbm, h_hbm,
             gidx_c, gidx_v, off_c, off_v, slab_c, slab_v, buf, sem):
    wid = lax.axis_index("s") * _NC + lax.axis_index("c")

    def per_chunk(c, carry):
        i0 = pl.multiple_of((wid * _NCH + c) * _GR, _GR)
        b0 = pl.multiple_of((wid * _NCH + c) * _CB, _CB)
        pltpu.sync_copy(gc_hbm.at[pl.ds(i0, _GR)], gidx_c)
        pltpu.sync_copy(gv_hbm.at[pl.ds(i0, _GR)], gidx_v)
        pltpu.sync_copy(oc_hbm.at[pl.ds(i0, _GR)], off_c.at[pl.ds(0, _GR)])
        pltpu.sync_copy(ov_hbm.at[pl.ds(i0, _GR)], off_v.at[pl.ds(0, _GR)])
        cpy_c = pltpu.async_copy(cnt_hbm.at[gidx_c], slab_c, sem)
        cpy_v = pltpu.async_copy(val_hbm.at[gidx_v], slab_v, sem)
        cpy_c.wait()
        cpy_v.wait()

        def mul_b(b, carry2):
            r0 = b * _K
            vc0 = off_c[pl.ds(r0, 16)]
            vc1 = off_c[pl.ds(r0 + 16, 16)]
            vv0 = off_v[pl.ds(r0, 16)]
            vv1 = off_v[pl.ds(r0 + 16, 16)]
            for k in range(_K):
                oc = pl.multiple_of(vc0[k] if k < 16 else vc1[k - 16], _NEMBED)
                ov = pl.multiple_of(vv0[k] if k < 16 else vv1[k - 16], _NEMBED)
                r = r0 + k
                for j in (0, 16):
                    a = slab_c[r, pl.ds(pl.multiple_of(oc + j, 16), 16)]
                    bb = slab_v[r, pl.ds(pl.multiple_of(ov + j, 16), 16)]
                    buf[b, pl.ds(k * _NEMBED + j, 16)] = a * bb
            return carry2

        lax.fori_loop(0, _CB, mul_b, 0)
        pltpu.sync_copy(buf, h_hbm.at[pl.ds(b0, _CB), :])
        return carry

    lax.fori_loop(0, _NCH, per_chunk, 0)


def _sc_gather_mul(gc, oc, gv, ov, cnt_p, val_p):
    mesh = plsc.VectorSubcoreMesh(core_axis_name="c", subcore_axis_name="s")
    f = pl.kernel(
        _sc_body,
        out_type=jax.ShapeDtypeStruct((_B, _D), jnp.float32),
        mesh=mesh,
        scratch_types=[
            pltpu.VMEM((_GR,), jnp.int32),
            pltpu.VMEM((_GR,), jnp.int32),
            pltpu.VMEM((_GR + 16,), jnp.int32),
            pltpu.VMEM((_GR + 16,), jnp.int32),
            pltpu.VMEM((_GR, 128), jnp.float32),
            pltpu.VMEM((_GR, 128), jnp.float32),
            pltpu.VMEM((_CB, _D), jnp.float32),
            pltpu.SemaphoreType.DMA,
        ],
    )
    return f(gc, oc, gv, ov, cnt_p, val_p)


def _tc_body(h_ref, w_ref, b_ref, o_ref):
    t = jnp.tanh(h_ref[...]).astype(jnp.bfloat16)
    o_ref[...] = (
        jnp.dot(t, w_ref[...], preferred_element_type=jnp.float32) + b_ref[...]
    )


def _tc_mlp(h, W, b):
    mb = 2048
    return pl.pallas_call(
        _tc_body,
        grid=(_B // mb,),
        in_specs=[
            pl.BlockSpec((mb, _D), lambda i: (i, 0)),
            pl.BlockSpec((_D, _NHID), lambda i: (0, 0)),
            pl.BlockSpec((1, _NHID), lambda i: (0, 0)),
        ],
        out_specs=pl.BlockSpec((mb, _NHID), lambda i: (i, 0)),
        out_shape=jax.ShapeDtypeStruct((_B, _NHID), jnp.float32),
    )(h, W.astype(jnp.bfloat16), b.reshape(1, _NHID))


@jax.jit
def kernel(ctx, cnt_table, val_table, W, b):
    cids = ctx[0::2].T.reshape(-1)
    vids = ctx[1::2].T.reshape(-1)
    gc = (cids // _CHUNK) * _QROWS + cids % _QROWS
    oc = ((cids % _CHUNK) // _QROWS) * _NEMBED
    gv = (vids // _CHUNK) * _QROWS + vids % _QROWS
    ov = ((vids % _CHUNK) // _QROWS) * _NEMBED
    h = _sc_gather_mul(gc, oc, gv, ov,
                       _tc_repack(cnt_table.T), _tc_repack(val_table.T))
    out = _tc_mlp(h, W, b)
    return out[None, :, :]

# --- scband reference (transcript-rebuilt; emitter-appended) ---
"""Pipeline reference for scband-mlp-context-encoder-16836271800631 (READ-ONLY COPY).

The authoritative reference and input builder live on the scoring server;
editing this copy changes nothing except your own understanding.
"""

import jax, jax.numpy as jnp
import numpy as np

N = 1000000
K = 26
NEMBED = 32
NHID = 128
B = 16384
INIT_RANGE = 0.1


def setup_inputs(seed: int = 0) -> dict:
    key = jax.random.key(seed)
    k1, k2, k3, k4 = jax.random.split(key, 4)
    # ctx: int ids, interleaved count/value rows -> shape [2*K, B]
    ctx = jax.random.randint(k1, (2 * K, B), 0, N, dtype=jnp.int32)
    # learned parameters per init_kwargs
    cnt_table = jax.random.uniform(k2, (N, NEMBED), minval=-INIT_RANGE, maxval=INIT_RANGE, dtype=jnp.float32)
    val_table = jax.random.uniform(k3, (N, NEMBED), minval=-INIT_RANGE, maxval=INIT_RANGE, dtype=jnp.float32)
    # torch Linear(k*nembed, nhid): store transposed weight [in, out]
    W = jax.random.uniform(k4, (K * NEMBED, NHID), minval=-INIT_RANGE, maxval=INIT_RANGE, dtype=jnp.float32)
    b = jnp.zeros((NHID,), dtype=jnp.float32)
    return {"ctx": ctx, "cnt_table": cnt_table, "val_table": val_table, "W": W, "b": b}


def reference(ctx, cnt_table, val_table, W, b):
    # cnt rows at even indices, val rows at odd indices
    cnt = ctx[0::2]  # [K, B]
    val = ctx[1::2]  # [K, B]
    cnt_emb = jnp.take(cnt_table, cnt, axis=0)  # [K, B, NEMBED]
    val_emb = jnp.take(val_table, val, axis=0)  # [K, B, NEMBED]
    h = cnt_emb * val_emb
    h = jnp.transpose(h, (1, 0, 2)).reshape(ctx.shape[1], -1)  # [B, K*NEMBED]
    # nn.Sequential(Tanh(), Linear(k*nembed, nhid))
    ctx_h = jnp.tanh(h) @ W + b  # [B, NHID]
    return ctx_h[None, :, :]  # unsqueeze(0) -> [1, B, NHID]

if __name__ == "__main__":
    import jax
    _d = setup_inputs()
    print(jax.jit(kernel)(*tuple(_d.values())))

</pallas_src>

<mosaic_0001>
#map = affine_map<(d0, d1) -> (0)>
#map1 = affine_map<(d0, d1) -> (0, 0)>
module attributes {stable_mosaic.version = 14 : i64} {
  func.func @_sc_body(%arg0: i32, %arg1: i32, %arg2: memref<425984xi32, #tpu.memory_space<hbm>>, %arg3: memref<425984xi32, #tpu.memory_space<hbm>>, %arg4: memref<425984xi32, #tpu.memory_space<hbm>>, %arg5: memref<425984xi32, #tpu.memory_space<hbm>>, %arg6: memref<252000x128xf32, #tpu.memory_space<hbm>>, %arg7: memref<252000x128xf32, #tpu.memory_space<hbm>>, %arg8: memref<16384x832xf32, #tpu.memory_space<hbm>>, %arg9: memref<208xi32, #tpu.memory_space<vmem>>, %arg10: memref<208xi32, #tpu.memory_space<vmem>>, %arg11: memref<224xi32, #tpu.memory_space<vmem>>, %arg12: memref<224xi32, #tpu.memory_space<vmem>>, %arg13: memref<208x128xf32, #tpu.memory_space<vmem>>, %arg14: memref<208x128xf32, #tpu.memory_space<vmem>>, %arg15: memref<8x832xf32, #tpu.memory_space<vmem>>, %arg16: memref<!tpu.dma_semaphore, #tpu.memory_space<semaphore_mem>>) attributes {dimension_semantics = [#tpu.dimension_semantics<core_parallel>, #tpu.dimension_semantics<subcore_parallel>], iteration_bounds = array<i64: 2, 16>, scalar_prefetch = 0 : i64, scratch_operands = 8 : i64, tpu.core_type = #tpu.core_type<sc_vector_subcore>, window_params = [{transform_indices = #map}, {transform_indices = #map}, {transform_indices = #map}, {transform_indices = #map}, {transform_indices = #map1}, {transform_indices = #map1}, {transform_indices = #map1}]} {
    %mul3A = arith.constant 2 : i32
    %mul3A_0 = arith.muli %arg1, %mul3A : i32
    %add3A = arith.addi %mul3A_0, %arg0 : i32
    %scan3A = arith.constant 0 : i32
    %scan3A_1 = arith.constant 0 : i32
    %scan3A_2 = arith.constant 64 : i32
    %scan3A_3 = arith.addi %scan3A_1, %scan3A_2 : i32
    %scan3A_4 = arith.constant 1 : i32
    scf.for %scan3A_6 = %scan3A_1 to %scan3A_3 step %scan3A_4  : i32 {
      %mul3A_7 = arith.constant 64 : i32
      %mul3A_8 = arith.muli %add3A, %mul3A_7 : i32
      %add3A_9 = arith.addi %mul3A_8, %scan3A_6 : i32
      %mul3A_10 = arith.constant 208 : i32
      %mul3A_11 = arith.muli %add3A_9, %mul3A_10 : i32
      %multiple_of3A = tpu.assume_multiple %mul3A_11, 208 : i32
      %mul3A_12 = arith.constant 64 : i32
      %mul3A_13 = arith.muli %add3A, %mul3A_12 : i32
      %add3A_14 = arith.addi %mul3A_13, %scan3A_6 : i32
      %mul3A_15 = arith.constant 8 : i32
      %mul3A_16 = arith.muli %add3A_14, %mul3A_15 : i32
      %multiple_of3A_17 = tpu.assume_multiple %mul3A_16, 8 : i32
      "tpu.region"() ({
        %run_scoped3A = tpu.sem_alloc : memref<!tpu.dma_semaphore, #tpu.memory_space<semaphore_mem>>
        %dma_start3A_34 = tpu.memref_slice %arg2[%multiple_of3A] : memref<425984xi32, #tpu.memory_space<hbm>> -> memref<208xi32, #tpu.memory_space<hbm>>
        %dma_start3A_35 = tpu.memref_slice %arg2[%multiple_of3A] : memref<425984xi32, #tpu.memory_space<hbm>> -> memref<208xi32, #tpu.memory_space<hbm>>
        tpu.enqueue_dma source(%dma_start3A_35 : memref<208xi32, #tpu.memory_space<hbm>>) target(%arg9 : memref<208xi32, #tpu.memory_space<vmem>>) target_semaphore(%run_scoped3A : memref<!tpu.dma_semaphore, #tpu.memory_space<semaphore_mem>>)
        %dma_wait3A_36 = tpu.memref_slice %arg2[%multiple_of3A] : memref<425984xi32, #tpu.memory_space<hbm>> -> memref<208xi32, #tpu.memory_space<hbm>>
        %dma_wait3A_37 = tpu.memref_slice %arg2[%multiple_of3A] : memref<425984xi32, #tpu.memory_space<hbm>> -> memref<208xi32, #tpu.memory_space<hbm>>
        tpu.wait_dma2 semaphore(%run_scoped3A : memref<!tpu.dma_semaphore, #tpu.memory_space<semaphore_mem>>) src(%dma_wait3A_37 : memref<208xi32, #tpu.memory_space<hbm>>) dst(%arg9 : memref<208xi32, #tpu.memory_space<vmem>>)
        tpu.yield
      }) : () -> ()
      "tpu.region"() ({
        %run_scoped3A = tpu.sem_alloc : memref<!tpu.dma_semaphore, #tpu.memory_space<semaphore_mem>>
        %dma_start3A_34 = tpu.memref_slice %arg4[%multiple_of3A] : memref<425984xi32, #tpu.memory_space<hbm>> -> memref<208xi32, #tpu.memory_space<hbm>>
        %dma_start3A_35 = tpu.memref_slice %arg4[%multiple_of3A] : memref<425984xi32, #tpu.memory_space<hbm>> -> memref<208xi32, #tpu.memory_space<hbm>>
        tpu.enqueue_dma source(%dma_start3A_35 : memref<208xi32, #tpu.memory_space<hbm>>) target(%arg10 : memref<208xi32, #tpu.memory_space<vmem>>) target_semaphore(%run_scoped3A : memref<!tpu.dma_semaphore, #tpu.memory_space<semaphore_mem>>)
        %dma_wait3A_36 = tpu.memref_slice %arg4[%multiple_of3A] : memref<425984xi32, #tpu.memory_space<hbm>> -> memref<208xi32, #tpu.memory_space<hbm>>
        %dma_wait3A_37 = tpu.memref_slice %arg4[%multiple_of3A] : memref<425984xi32, #tpu.memory_space<hbm>> -> memref<208xi32, #tpu.memory_space<hbm>>
        tpu.wait_dma2 semaphore(%run_scoped3A : memref<!tpu.dma_semaphore, #tpu.memory_space<semaphore_mem>>) src(%dma_wait3A_37 : memref<208xi32, #tpu.memory_space<hbm>>) dst(%arg10 : memref<208xi32, #tpu.memory_space<vmem>>)
        tpu.yield
      }) : () -> ()
      "tpu.region"() ({
        %run_scoped3A = tpu.sem_alloc : memref<!tpu.dma_semaphore, #tpu.memory_space<semaphore_mem>>
        %dma_start3A_34 = arith.constant 0 : i32
        %dma_start3A_35 = tpu.memref_slice %arg11[%dma_start3A_34] : memref<224xi32, #tpu.memory_space<vmem>> -> memref<208xi32, #tpu.memory_space<vmem>>
        %dma_start3A_36 = tpu.memref_slice %arg3[%multiple_of3A] : memref<425984xi32, #tpu.memory_space<hbm>> -> memref<208xi32, #tpu.memory_space<hbm>>
        %dma_start3A_37 = arith.constant 0 : i32
        %dma_start3A_38 = tpu.memref_slice %arg11[%dma_start3A_37] : memref<224xi32, #tpu.memory_space<vmem>> -> memref<208xi32, #tpu.memory_space<vmem>>
        %dma_start3A_39 = tpu.memref_slice %arg3[%multiple_of3A] : memref<425984xi32, #tpu.memory_space<hbm>> -> memref<208xi32, #tpu.memory_space<hbm>>
        tpu.enqueue_dma source(%dma_start3A_39 : memref<208xi32, #tpu.memory_space<hbm>>) target(%dma_start3A_38 : memref<208xi32, #tpu.memory_space<vmem>>) target_semaphore(%run_scoped3A : memref<!tpu.dma_semaphore, #tpu.memory_space<semaphore_mem>>)
        %dma_wait3A_40 = arith.constant 0 : i32
        %dma_wait3A_41 = tpu.memref_slice %arg11[%dma_wait3A_40] : memref<224xi32, #tpu.memory_space<vmem>> -> memref<208xi32, #tpu.memory_space<vmem>>
        %dma_wait3A_42 = tpu.memref_slice %arg3[%multiple_of3A] : memref<425984xi32, #tpu.memory_space<hbm>> -> memref<208xi32, #tpu.memory_space<hbm>>
        %dma_wait3A_43 = arith.constant 0 : i32
        %dma_wait3A_44 = tpu.memref_slice %arg11[%dma_wait3A_43] : memref<224xi32, #tpu.memory_space<vmem>> -> memref<208xi32, #tpu.memory_space<vmem>>
        %dma_wait3A_45 = tpu.memref_slice %arg3[%multiple_of3A] : memref<425984xi32, #tpu.memory_space<hbm>> -> memref<208xi32, #tpu.memory_space<hbm>>
        tpu.wait_dma2 semaphore(%run_scoped3A : memref<!tpu.dma_semaphore, #tpu.memory_space<semaphore_mem>>) src(%dma_wait3A_45 : memref<208xi32, #tpu.memory_space<hbm>>) dst(%dma_wait3A_44 : memref<208xi32, #tpu.memory_space<vmem>>)
        tpu.yield
      }) : () -> ()
      "tpu.region"() ({
        %run_scoped3A = tpu.sem_alloc : memref<!tpu.dma_semaphore, #tpu.memory_space<semaphore_mem>>
        %dma_start3A_34 = arith.constant 0 : i32
        %dma_start3A_35 = tpu.memref_slice %arg12[%dma_start3A_34] : memref<224xi32, #tpu.memory_space<vmem>> -> memref<208xi32, #tpu.memory_space<vmem>>
        %dma_start3A_36 = tpu.memref_slice %arg5[%multiple_of3A] : memref<425984xi32, #tpu.memory_space<hbm>> -> memref<208xi32, #tpu.memory_space<hbm>>
        %dma_start3A_37 = arith.constant 0 : i32
        %dma_start3A_38 = tpu.memref_slice %arg12[%dma_start3A_37] : memref<224xi32, #tpu.memory_space<vmem>> -> memref<208xi32, #tpu.memory_space<vmem>>
        %dma_start3A_39 = tpu.memref_slice %arg5[%multiple_of3A] : memref<425984xi32, #tpu.memory_space<hbm>> -> memref<208xi32, #tpu.memory_space<hbm>>
        tpu.enqueue_dma source(%dma_start3A_39 : memref<208xi32, #tpu.memory_space<hbm>>) target(%dma_start3A_38 : memref<208xi32, #tpu.memory_space<vmem>>) target_semaphore(%run_scoped3A : memref<!tpu.dma_semaphore, #tpu.memory_space<semaphore_mem>>)
        %dma_wait3A_40 = arith.constant 0 : i32
        %dma_wait3A_41 = tpu.memref_slice %arg12[%dma_wait3A_40] : memref<224xi32, #tpu.memory_space<vmem>> -> memref<208xi32, #tpu.memory_space<vmem>>
        %dma_wait3A_42 = tpu.memref_slice %arg5[%multiple_of3A] : memref<425984xi32, #tpu.memory_space<hbm>> -> memref<208xi32, #tpu.memory_space<hbm>>
        %dma_wait3A_43 = arith.constant 0 : i32
        %dma_wait3A_44 = tpu.memref_slice %arg12[%dma_wait3A_43] : memref<224xi32, #tpu.memory_space<vmem>> -> memref<208xi32, #tpu.memory_space<vmem>>
        %dma_wait3A_45 = tpu.memref_slice %arg5[%multiple_of3A] : memref<425984xi32, #tpu.memory_space<hbm>> -> memref<208xi32, #tpu.memory_space<hbm>>
        tpu.wait_dma2 semaphore(%run_scoped3A : memref<!tpu.dma_semaphore, #tpu.memory_space<semaphore_mem>>) src(%dma_wait3A_45 : memref<208xi32, #tpu.memory_space<hbm>>) dst(%dma_wait3A_44 : memref<208xi32, #tpu.memory_space<vmem>>)
        tpu.yield
      }) : () -> ()
      %dma_start3A = arith.constant 0 : i32
      %dma_start3A_18 = arith.constant 0 : i32
      %dma_start3A_19 = tpu.memref_slice %arg6[%dma_start3A, %dma_start3A_18] : memref<252000x128xf32, #tpu.memory_space<hbm>> -> memref<252000x128xf32, #tpu.memory_space<hbm>>
      tpu.enqueue_indirect_dma source(%dma_start3A_19 : memref<252000x128xf32, #tpu.memory_space<hbm>>) target(%arg13 : memref<208x128xf32, #tpu.memory_space<vmem>>) offsets(%arg9 : memref<208xi32, #tpu.memory_space<vmem>>) semaphore(%arg16 : memref<!tpu.dma_semaphore, #tpu.memory_space<semaphore_mem>>)
      %dma_start3A_20 = arith.constant 0 : i32
      %dma_start3A_21 = arith.constant 0 : i32
      %dma_start3A_22 = tpu.memref_slice %arg7[%dma_start3A_20, %dma_start3A_21] : memref<252000x128xf32, #tpu.memory_space<hbm>> -> memref<252000x128xf32, #tpu.memory_space<hbm>>
      tpu.enqueue_indirect_dma source(%dma_start3A_22 : memref<252000x128xf32, #tpu.memory_space<hbm>>) target(%arg14 : memref<208x128xf32, #tpu.memory_space<vmem>>) offsets(%arg10 : memref<208xi32, #tpu.memory_space<vmem>>) semaphore(%arg16 : memref<!tpu.dma_semaphore, #tpu.memory_space<semaphore_mem>>)
      %dma_wait3A = arith.constant 0 : i32
      %dma_wait3A_23 = arith.constant 0 : i32
      %dma_wait3A_24 = tpu.memref_slice %arg6[%dma_wait3A, %dma_wait3A_23] : memref<252000x128xf32, #tpu.memory_space<hbm>> -> memref<252000x128xf32, #tpu.memory_space<hbm>>
      tpu.wait_indirect_dma semaphore(%arg16 : memref<!tpu.dma_semaphore, #tpu.memory_space<semaphore_mem>>) src(%dma_wait3A_24 : memref<252000x128xf32, #tpu.memory_space<hbm>>) dst(%arg13 : memref<208x128xf32, #tpu.memory_space<vmem>>)
      %dma_wait3A_25 = arith.constant 0 : i32
      %dma_wait3A_26 = arith.constant 0 : i32
      %dma_wait3A_27 = tpu.memref_slice %arg7[%dma_wait3A_25, %dma_wait3A_26] : memref<252000x128xf32, #tpu.memory_space<hbm>> -> memref<252000x128xf32, #tpu.memory_space<hbm>>
      tpu.wait_indirect_dma semaphore(%arg16 : memref<!tpu.dma_semaphore, #tpu.memory_space<semaphore_mem>>) src(%dma_wait3A_27 : memref<252000x128xf32, #tpu.memory_space<hbm>>) dst(%arg14 : memref<208x128xf32, #tpu.memory_space<vmem>>)
      %scan3A_28 = arith.constant 0 : i32
      %scan3A_29 = arith.constant 0 : i32
      %scan3A_30 = arith.constant 8 : i32
      %scan3A_31 = arith.addi %scan3A_29, %scan3A_30 : i32
      %scan3A_32 = arith.constant 1 : i32
      scf.for %scan3A_34 = %scan3A_29 to %scan3A_31 step %scan3A_32  : i32 {
        %mul3A_35 = arith.constant 26 : i32
        %mul3A_36 = arith.muli %scan3A_34, %mul3A_35 : i32
        %get3A = arith.index_cast %mul3A_36 : i32 to index
        %get3A_37 = tpu.vector_load %arg11[%get3A] {strides = array<i32>} : memref<224xi32, #tpu.memory_space<vmem>>, vector<16xi32>,
        %get3A_38 = vector.shape_cast %get3A_37 : vector<16xi32> to vector<16xi32>
        %add3A_39 = arith.constant 16 : i32
        %add3A_40 = arith.addi %mul3A_36, %add3A_39 : i32
        %get3A_41 = arith.index_cast %add3A_40 : i32 to index
        %get3A_42 = tpu.vector_load %arg11[%get3A_41] {strides = array<i32>} : memref<224xi32, #tpu.memory_space<vmem>>, vector<16xi32>,
        %get3A_43 = vector.shape_cast %get3A_42 : vector<16xi32> to vector<16xi32>
        %get3A_44 = arith.index_cast %mul3A_36 : i32 to index
        %get3A_45 = tpu.vector_load %arg12[%get3A_44] {strides = array<i32>} : memref<224xi32, #tpu.memory_space<vmem>>, vector<16xi32>,
        %get3A_46 = vector.shape_cast %get3A_45 : vector<16xi32> to vector<16xi32>
        %add3A_47 = arith.constant 16 : i32
        %add3A_48 = arith.addi %mul3A_36, %add3A_47 : i32
        %get3A_49 = arith.index_cast %add3A_48 : i32 to index
        %get3A_50 = tpu.vector_load %arg12[%get3A_49] {strides = array<i32>} : memref<224xi32, #tpu.memory_space<vmem>>, vector<16xi32>,
        %get3A_51 = vector.shape_cast %get3A_50 : vector<16xi32> to vector<16xi32>
        %slice3A = vector.extract_strided_slice %get3A_38 {offsets = [0], sizes = [1], strides = [1]} : vector<16xi32> to vector<1xi32>
        %squeeze3A = vector.extract %slice3A[0] : i32 from vector<1xi32>
        %multiple_of3A_52 = tpu.assume_multiple %squeeze3A, 32 : i32
        %slice3A_53 = vector.extract_strided_slice %get3A_46 {offsets = [0], sizes = [1], strides = [1]} : vector<16xi32> to vector<1xi32>
        %squeeze3A_54 = vector.extract %slice3A_53[0] : i32 from vector<1xi32>
        %multiple_of3A_55 = tpu.assume_multiple %squeeze3A_54, 32 : i32
        %add3A_56 = arith.constant 0 : i32
        %add3A_57 = arith.addi %mul3A_36, %add3A_56 : i32
        %add3A_58 = arith.constant 0 : i32
        %add3A_59 = arith.addi %multiple_of3A_52, %add3A_58 : i32
        %multiple_of3A_60 = tpu.assume_multiple %add3A_59, 16 : i32
        %get3A_61 = arith.index_cast %add3A_57 : i32 to index
        %get3A_62 = arith.index_cast %multiple_of3A_60 : i32 to index
        %get3A_63 = tpu.vector_load %arg13[%get3A_61, %get3A_62] {strides = array<i32>} : memref<208x128xf32, #tpu.memory_space<vmem>>, vector<1x16xf32>,
        %get3A_64 = vector.shape_cast %get3A_63 : vector<1x16xf32> to vector<16xf32>
        %add3A_65 = arith.constant 0 : i32
        %add3A_66 = arith.addi %multiple_of3A_55, %add3A_65 : i32
        %multiple_of3A_67 = tpu.assume_multiple %add3A_66, 16 : i32
        %get3A_68 = arith.index_cast %add3A_57 : i32 to index
        %get3A_69 = arith.index_cast %multiple_of3A_67 : i32 to index
        %get3A_70 = tpu.vector_load %arg14[%get3A_68, %get3A_69] {strides = array<i32>} : memref<208x128xf32, #tpu.memory_space<vmem>>, vector<1x16xf32>,
        %get3A_71 = vector.shape_cast %get3A_70 : vector<1x16xf32> to vector<16xf32>
        %mul3A_72 = arith.mulf %get3A_64, %get3A_71 : vector<16xf32>
        %swap3A = arith.index_cast %scan3A_34 : i32 to index
        %swap3A_73 = arith.constant 0 : index
        %swap3A_74 = tpu.vector_load %arg15[%swap3A, %swap3A_73] {strides = array<i32>} : memref<8x832xf32, #tpu.memory_space<vmem>>, vector<1x16xf32>,
        %swap3A_75 = vector.shape_cast %swap3A_74 : vector<1x16xf32> to vector<16xf32>
        %swap3A_76 = vector.shape_cast %mul3A_72 : vector<16xf32> to vector<1x16xf32>
        tpu.vector_store %arg15[%swap3A, %swap3A_73], %swap3A_76 {strides = array<i32>} : memref<8x832xf32, #tpu.memory_space<vmem>>, vector<1x16xf32>,
        %add3A_77 = arith.constant 16 : i32
        %add3A_78 = arith.addi %multiple_of3A_52, %add3A_77 : i32
        %multiple_of3A_79 = tpu.assume_multiple %add3A_78, 16 : i32
        %get3A_80 = arith.index_cast %add3A_57 : i32 to index
        %get3A_81 = arith.index_cast %multiple_of3A_79 : i32 to index
        %get3A_82 = tpu.vector_load %arg13[%get3A_80, %get3A_81] {strides = array<i32>} : memref<208x128xf32, #tpu.memory_space<vmem>>, vector<1x16xf32>,
        %get3A_83 = vector.shape_cast %get3A_82 : vector<1x16xf32> to vector<16xf32>
        %add3A_84 = arith.constant 16 : i32
        %add3A_85 = arith.addi %multiple_of3A_55, %add3A_84 : i32
        %multiple_of3A_86 = tpu.assume_multiple %add3A_85, 16 : i32
        %get3A_87 = arith.index_cast %add3A_57 : i32 to index
        %get3A_88 = arith.index_cast %multiple_of3A_86 : i32 to index
        %get3A_89 = tpu.vector_load %arg14[%get3A_87, %get3A_88] {strides = array<i32>} : memref<208x128xf32, #tpu.memory_space<vmem>>, vector<1x16xf32>,
        %get3A_90 = vector.shape_cast %get3A_89 : vector<1x16xf32> to vector<16xf32>
        %mul3A_91 = arith.mulf %get3A_83, %get3A_90 : vector<16xf32>
        %swap3A_92 = arith.index_cast %scan3A_34 : i32 to index
        %swap3A_93 = arith.constant 16 : index
        %swap3A_94 = tpu.vector_load %arg15[%swap3A_92, %swap3A_93] {strides = array<i32>} : memref<8x832xf32, #tpu.memory_space<vmem>>, vector<1x16xf32>,
        %swap3A_95 = vector.shape_cast %swap3A_94 : vector<1x16xf32> to vector<16xf32>
        %swap3A_96 = vector.shape_cast %mul3A_91 : vector<16xf32> to vector<1x16xf32>
        tpu.vector_store %arg15[%swap3A_92, %swap3A_93], %swap3A_96 {strides = array<i32>} : memref<8x832xf32, #tpu.memory_space<vmem>>, vector<1x16xf32>,
        %slice3A_97 = vector.extract_strided_slice %get3A_38 {offsets = [1], sizes = [1], strides = [1]} : vector<16xi32> to vector<1xi32>
        %squeeze3A_98 = vector.extract %slice3A_97[0] : i32 from vector<1xi32>
        %multiple_of3A_99 = tpu.assume_multiple %squeeze3A_98, 32 : i32
        %slice3A_100 = vector.extract_strided_slice %get3A_46 {offsets = [1], sizes = [1], strides = [1]} : vector<16xi32> to vector<1xi32>
        %squeeze3A_101 = vector.extract %slice3A_100[0] : i32 from vector<1xi32>
        %multiple_of3A_102 = tpu.assume_multiple %squeeze3A_101, 32 : i32
        %add3A_103 = arith.constant 1 : i32
        %add3A_104 = arith.addi %mul3A_36, %add3A_103 : i32
        %add3A_105 = arith.constant 0 : i32
        %add3A_106 = arith.addi %multiple_of3A_99, %add3A_105 : i32
        %multiple_of3A_107 = tpu.assume_multiple %add3A_106, 16 : i32
        %get3A_108 = arith.index_cast %add3A_104 : i32 to index
        %get3A_109 = arith.index_cast %multiple_of3A_107 : i32 to index
        %get3A_110 = tpu.vector_load %arg13[%get3A_108, %get3A_109] {strides = array<i32>} : memref<208x128xf32, #tpu.memory_space<vmem>>, vector<1x16xf32>,
        %get3A_111 = vector.shape_cast %get3A_110 : vector<1x16xf32> to vector<16xf32>
        %add3A_112 = arith.constant 0 : i32
        %add3A_113 = arith.addi %multiple_of3A_102, %add3A_112 : i32
        %multiple_of3A_114 = tpu.assume_multiple %add3A_113, 16 : i32
        %get3A_115 = arith.index_cast %add3A_104 : i32 to index
        %get3A_116 = arith.index_cast %multiple_of3A_114 : i32 to index
        %get3A_117 = tpu.vector_load %arg14[%get3A_115, %get3A_116] {strides = array<i32>} : memref<208x128xf32, #tpu.memory_space<vmem>>, vector<1x16xf32>,
        %get3A_118 = vector.shape_cast %get3A_117 : vector<1x16xf32> to vector<16xf32>
        %mul3A_119 = arith.mulf %get3A_111, %get3A_118 : vector<16xf32>
        %swap3A_120 = arith.index_cast %scan3A_34 : i32 to index
        %swap3A_121 = arith.constant 32 : index
        %swap3A_122 = tpu.vector_load %arg15[%swap3A_120, %swap3A_121] {strides = array<i32>} : memref<8x832xf32, #tpu.memory_space<vmem>>, vector<1x16xf32>,
        %swap3A_123 = vector.shape_cast %swap3A_122 : vector<1x16xf32> to vector<16xf32>
        %swap3A_124 = vector.shape_cast %mul3A_119 : vector<16xf32> to vector<1x16xf32>
        tpu.vector_store %arg15[%swap3A_120, %swap3A_121], %swap3A_124 {strides = array<i32>} : memref<8x832xf32, #tpu.memory_space<vmem>>, vector<1x16xf32>,
        %add3A_125 = arith.constant 16 : i32
        %add3A_126 = arith.addi %multiple_of3A_99, %add3A_125 : i32
        %multiple_of3A_127 = tpu.assume_multiple %add3A_126, 16 : i32
        %get3A_128 = arith.index_cast %add3A_104 : i32 to index
        %get3A_129 = arith.index_cast %multiple_of3A_127 : i32 to index
        %get3A_130 = tpu.vector_load %arg13[%get3A_128, %get3A_129] {strides = array<i32>} : memref<208x128xf32, #tpu.memory_space<vmem>>, vector<1x16xf32>,
        %get3A_131 = vector.shape_cast %get3A_130 : vector<1x16xf32> to vector<16xf32>
        %add3A_132 = arith.constant 16 : i32
        %add3A_133 = arith.addi %multiple_of3A_102, %add3A_132 : i32
        %multiple_of3A_134 = tpu.assume_multiple %add3A_133, 16 : i32
        %get3A_135 = arith.index_cast %add3A_104 : i32 to index
        %get3A_136 = arith.index_cast %multiple_of3A_134 : i32 to index
        %get3A_137 = tpu.vector_load %arg14[%get3A_135, %get3A_136] {strides = array<i32>} : memref<208x128xf32, #tpu.memory_space<vmem>>, vector<1x16xf32>,
        %get3A_138 = vector.shape_cast %get3A_137 : vector<1x16xf32> to vector<16xf32>
        %mul3A_139 = arith.mulf %get3A_131, %get3A_138 : vector<16xf32>
        %swap3A_140 = arith.index_cast %scan3A_34 : i32 to index
        %swap3A_141 = arith.constant 48 : index
        %swap3A_142 = tpu.vector_load %arg15[%swap3A_140, %swap3A_141] {strides = array<i32>} : memref<8x832xf32, #tpu.memory_space<vmem>>, vector<1x16xf32>,
        %swap3A_143 = vector.shape_cast %swap3A_142 : vector<1x16xf32> to vector<16xf32>
        %swap3A_144 = vector.shape_cast %mul3A_139 : vector<16xf32> to vector<1x16xf32>
        tpu.vector_store %arg15[%swap3A_140, %swap3A_141], %swap3A_144 {strides = array<i32>} : memref<8x832xf32, #tpu.memory_space<vmem>>, vector<1x16xf32>,
        %slice3A_145 = vector.extract_strided_slice %get3A_38 {offsets = [2], sizes = [1], strides = [1]} : vector<16xi32> to vector<1xi32>
        %squeeze3A_146 = vector.extract %slice3A_145[0] : i32 from vector<1xi32>
        %multiple_of3A_147 = tpu.assume_multiple %squeeze3A_146, 32 : i32
        %slice3A_148 = vector.extract_strided_slice %get3A_46 {offsets = [2], sizes = [1], strides = [1]} : vector<16xi32> to vector<1xi32>
        %squeeze3A_149 = vector.extract %slice3A_148[0] : i32 from vector<1xi32>
        %multiple_of3A_150 = tpu.assume_multiple %squeeze3A_149, 32 : i32
        %add3A_151 = arith.constant 2 : i32
        %add3A_152 = arith.addi %mul3A_36, %add3A_151 : i32
        %add3A_153 = arith.constant 0 : i32
        %add3A_154 = arith.addi %multiple_of3A_147, %add3A_153 : i32
        %multiple_of3A_155 = tpu.assume_multiple %add3A_154, 16 : i32
        %get3A_156 = arith.index_cast %add3A_152 : i32 to index
        %get3A_157 = arith.index_cast %multiple_of3A_155 : i32 to index
        %get3A_158 = tpu.vector_load %arg13[%get3A_156, %get3A_157] {strides = array<i32>} : memref<208x128xf32, #tpu.memory_space<vmem>>, vector<1x16xf32>,
        %get3A_159 = vector.shape_cast %get3A_158 : vector<1x16xf32> to vector<16xf32>
        %add3A_160 = arith.constant 0 : i32
        %add3A_161 = arith.addi %multiple_of3A_150, %add3A_160 : i32
        %multiple_of3A_162 = tpu.assume_multiple %add3A_161, 16 : i32
        %get3A_163 = arith.index_cast %add3A_152 : i32 to index
        %get3A_164 = arith.index_cast %multiple_of3A_162 : i32 to index
        %get3A_165 = tpu.vector_load %arg14[%get3A_163, %get3A_164] {strides = array<i32>} : memref<208x128xf32, #tpu.memory_space<vmem>>, vector<1x16xf32>,
        %get3A_166 = vector.shape_cast %get3A_165 : vector<1x16xf32> to vector<16xf32>
        %mul3A_167 = arith.mulf %get3A_159, %get3A_166 : vector<16xf32>
        %swap3A_168 = arith.index_cast %scan3A_34 : i32 to index
        %swap3A_169 = arith.constant 64 : index
        %swap3A_170 = tpu.vector_load %arg15[%swap3A_168, %swap3A_169] {strides = array<i32>} : memref<8x832xf32, #tpu.memory_space<vmem>>, vector<1x16xf32>,
        %swap3A_171 = vector.shape_cast %swap3A_170 : vector<1x16xf32> to vector<16xf32>
        %swap3A_172 = vector.shape_cast %mul3A_167 : vector<16xf32> to vector<1x16xf32>
        tpu.vector_store %arg15[%swap3A_168, %swap3A_169], %swap3A_172 {strides = array<i32>} : memref<8x832xf32, #tpu.memory_space<vmem>>, vector<1x16xf32>,
        %add3A_173 = arith.constant 16 : i32
        %add3A_174 = arith.addi %multiple_of3A_147, %add3A_173 : i32
        %multiple_of3A_175 = tpu.assume_multiple %add3A_174, 16 : i32
        %get3A_176 = arith.index_cast %add3A_152 : i32 to index
        %get3A_177 = arith.index_cast %multiple_of3A_175 : i32 to index
        %get3A_178 = tpu.vector_load %arg13[%get3A_176, %get3A_177] {strides = array<i32>} : memref<208x128xf32, #tpu.memory_space<vmem>>, vector<1x16xf32>,
        %get3A_179 = vector.shape_cast %get3A_178 : vector<1x16xf32> to vector<16xf32>
        %add3A_180 = arith.constant 16 : i32
        %add3A_181 = arith.addi %multiple_of3A_150, %add3A_180 : i32
        %multiple_of3A_182 = tpu.assume_multiple %add3A_181, 16 : i32
        %get3A_183 = arith.index_cast %add3A_152 : i32 to index
        %get3A_184 = arith.index_cast %multiple_of3A_182 : i32 to index
        %get3A_185 = tpu.vector_load %arg14[%get3A_183, %get3A_184] {strides = array<i32>} : memref<208x128xf32, #tpu.memory_space<vmem>>, vector<1x16xf32>,
        %get3A_186 = vector.shape_cast %get3A_185 : vector<1x16xf32> to vector<16xf32>
        %mul3A_187 = arith.mulf %get3A_179, %get3A_186 : vector<16xf32>
        %swap3A_188 = arith.index_cast %scan3A_34 : i32 to index
        %swap3A_189 = arith.constant 80 : index
        %swap3A_190 = tpu.vector_load %arg15[%swap3A_188, %swap3A_189] {strides = array<i32>} : memref<8x832xf32, #tpu.memory_space<vmem>>, vector<1x16xf32>,
        %swap3A_191 = vector.shape_cast %swap3A_190 : vector<1x16xf32> to vector<16xf32>
        %swap3A_192 = vector.shape_cast %mul3A_187 : vector<16xf32> to vector<1x16xf32>
        tpu.vector_store %arg15[%swap3A_188, %swap3A_189], %swap3A_192 {strides = array<i32>} : memref<8x832xf32, #tpu.memory_space<vmem>>, vector<1x16xf32>,
        %slice3A_193 = vector.extract_strided_slice %get3A_38 {offsets = [3], sizes = [1], strides = [1]} : vector<16xi32> to vector<1xi32>
        %squeeze3A_194 = vector.extract %slice3A_193[0] : i32 from vector<1xi32>
        %multiple_of3A_195 = tpu.assume_multiple %squeeze3A_194, 32 : i32
        %slice3A_196 = vector.extract_strided_slice %get3A_46 {offsets = [3], sizes = [1], strides = [1]} : vector<16xi32> to vector<1xi32>
        %squeeze3A_197 = vector.extract %slice3A_196[0] : i32 from vector<1xi32>
        %multiple_of3A_198 = tpu.assume_multiple %squeeze3A_197, 32 : i32
        %add3A_199 = arith.constant 3 : i32
        %add3A_200 = arith.addi %mul3A_36, %add3A_199 : i32
        %add3A_201 = arith.constant 0 : i32
        %add3A_202 = arith.addi %multiple_of3A_195, %add3A_201 : i32
        %multiple_of3A_203 = tpu.assume_multiple %add3A_202, 16 : i32
        %get3A_204 = arith.index_cast %add3A_200 : i32 to index
        %get3A_205 = arith.index_cast %multiple_of3A_203 : i32 to index
        %get3A_206 = tpu.vector_load %arg13[%get3A_204, %get3A_205] {strides = array<i32>} : memref<208x128xf32, #tpu.memory_space<vmem>>, vector<1x16xf32>,
        %get3A_207 = vector.shape_cast %get3A_206 : vector<1x16xf32> to vector<16xf32>
        %add3A_208 = arith.constant 0 : i32
        %add3A_209 = arith.addi %multiple_of3A_198, %add3A_208 : i32
        %multiple_of3A_210 = tpu.assume_multiple %add3A_209, 16 : i32
        %get3A_211 = arith.index_cast %add3A_200 : i32 to index
        %get3A_212 = arith.index_cast %multiple_of3A_210 : i32 to index
        %get3A_213 = tpu.vector_load %arg14[%get3A_211, %get3A_212] {strides = array<i32>} : memref<208x128xf32, #tpu.memory_space<vmem>>, vector<1x16xf32>,
        %get3A_214 = vector.shape_cast %get3A_213 : vector<1x16xf32> to vector<16xf32>
        %mul3A_215 = arith.mulf %get3A_207, %get3A_214 : vector<16xf32>
        %swap3A_216 = arith.index_cast %scan3A_34 : i32 to index
        %swap3A_217 = arith.constant 96 : index
        %swap3A_218 = tpu.vector_load %arg15[%swap3A_216, %swap3A_217] {strides = array<i32>} : memref<8x832xf32, #tpu.memory_space<vmem>>, vector<1x16xf32>,
        %swap3A_219 = vector.shape_cast %swap3A_218 : vector<1x16xf32> to vector<16xf32>
        %swap3A_220 = vector.shape_cast %mul3A_215 : vector<16xf32> to vector<1x16xf32>
        tpu.vector_store %arg15[%swap3A_216, %swap3A_217], %swap3A_220 {strides = array<i32>} : memref<8x832xf32, #tpu.memory_space<vmem>>, vector<1x16xf32>,
        %add3A_221 = arith.constant 16 : i32
        %add3A_222 = arith.addi %multiple_of3A_195, %add3A_221 : i32
        %multiple_of3A_223 = tpu.assume_multiple %add3A_222, 16 : i32
        %get3A_224 = arith.index_cast %add3A_200 : i32 to index
        %get3A_225 = arith.index_cast %multiple_of3A_223 : i32 to index
        %get3A_226 = tpu.vector_load %arg13[%get3A_224, %get3A_225] {strides = array<i32>} : memref<208x128xf32, #tpu.memory_space<vmem>>, vector<1x16xf32>,
        %get3A_227 = vector.shape_cast %get3A_226 : vector<1x16xf32> to vector<16xf32>
        %add3A_228 = arith.constant 16 : i32
        %add3A_229 = arith.addi %multiple_of3A_198, %add3A_228 : i32
        %multiple_of3A_230 = tpu.assume_multiple %add3A_229, 16 : i32
        %get3A_231 = arith.index_cast %add3A_200 : i32 to index
        %get3A_232 = arith.index_cast %multiple_of3A_230 : i32 to index
        %get3A_233 = tpu.vector_load %arg14[%get3A_231, %get3A_232] {strides = array<i32>} : memref<208x128xf32, #tpu.memory_space<vmem>>, vector<1x16xf32>,
        %get3A_234 = vector.shape_cast %get3A_233 : vector<1x16xf32> to vector<16xf32>
        %mul3A_235 = arith.mulf %get3A_227, %get3A_234 : vector<16xf32>
        %swap3A_236 = arith.index_cast %scan3A_34 : i32 to index
        %swap3A_237 = arith.constant 112 : index
        %swap3A_238 = tpu.vector_load %arg15[%swap3A_236, %swap3A_237] {strides = array<i32>} : memref<8x832xf32, #tpu.memory_space<vmem>>, vector<1x16xf32>,
        %swap3A_239 = vector.shape_cast %swap3A_238 : vector<1x16xf32> to vector<16xf32>
        %swap3A_240 = vector.shape_cast %mul3A_235 : vector<16xf32> to vector<1x16xf32>
        tpu.vector_store %arg15[%swap3A_236, %swap3A_237], %swap3A_240 {strides = array<i32>} : memref<8x832xf32, #tpu.memory_space<vmem>>, vector<1x16xf32>,
        %slice3A_241 = vector.extract_strided_slice %get3A_38 {offsets = [4], sizes = [1], strides = [1]} : vector<16xi32> to vector<1xi32>
        %squeeze3A_242 = vector.extract %slice3A_241[0] : i32 from vector<1xi32>
        %multiple_of3A_243 = tpu.assume_multiple %squeeze3A_242, 32 : i32
        %slice3A_244 = vector.extract_strided_slice %get3A_46 {offsets = [4], sizes = [1], strides = [1]} : vector<16xi32> to vector<1xi32>
        %squeeze3A_245 = vector.extract %slice3A_244[0] : i32 from vector<1xi32>
        %multiple_of3A_246 = tpu.assume_multiple %squeeze3A_245, 32 : i32
        %add3A_247 = arith.constant 4 : i32
        %add3A_248 = arith.addi %mul3A_36, %add3A_247 : i32
        %add3A_249 = arith.constant 0 : i32
        %add3A_250 = arith.addi %multiple_of3A_243, %add3A_249 : i32
        %multiple_of3A_251 = tpu.assume_multiple %add3A_250, 16 : i32
        %get3A_252 = arith.index_cast %add3A_248 : i32 to index
        %get3A_253 = arith.index_cast %multiple_of3A_251 : i32 to index
        %get3A_254 = tpu.vector_load %arg13[%get3A_252, %get3A_253] {strides = array<i32>} : memref<208x128xf32, #tpu.memory_space<vmem>>, vector<1x16xf32>,
        %get3A_255 = vector.shape_cast %get3A_254 : vector<1x16xf32> to vector<16xf32>
        %add3A_256 = arith.constant 0 : i32
        %add3A_257 = arith.addi %multiple_of3A_246, %add3A_256 : i32
        %multiple_of3A_258 = tpu.assume_multiple %add3A_257, 16 : i32
        %get3A_259 = arith.index_cast %add3A_248 : i32 to index
        %get3A_260 = arith.index_cast %multiple_of3A_258 : i32 to index
        %get3A_261 = tpu.vector_load %arg14[%get3A_259, %get3A_260] {strides = array<i32>} : memref<208x128xf32, #tpu.memory_space<vmem>>, vector<1x16xf32>,
        %get3A_262 = vector.shape_cast %get3A_261 : vector<1x16xf32> to vector<16xf32>
        %mul3A_263 = arith.mulf %get3A_255, %get3A_262 : vector<16xf32>
        %swap3A_264 = arith.index_cast %scan3A_34 : i32 to index
        %swap3A_265 = arith.constant 128 : index
        %swap3A_266 = tpu.vector_load %arg15[%swap3A_264, %swap3A_265] {strides = array<i32>} : memref<8x832xf32, #tpu.memory_space<vmem>>, vector<1x16xf32>,
        %swap3A_267 = vector.shape_cast %swap3A_266 : vector<1x16xf32> to vector<16xf32>
        %swap3A_268 = vector.shape_cast %mul3A_263 : vector<16xf32> to vector<1x16xf32>
        tpu.vector_store %arg15[%swap3A_264, %swap3A_265], %swap3A_268 {strides = array<i32>} : memref<8x832xf32, #tpu.memory_space<vmem>>, vector<1x16xf32>,
        %add3A_269 = arith.constant 16 : i32
        %add3A_270 = arith.addi %multiple_of3A_243, %add3A_269 : i32
        %multiple_of3A_271 = tpu.assume_multiple %add3A_270, 16 : i32
        %get3A_272 = arith.index_cast %add3A_248 : i32 to index
        %get3A_273 = arith.index_cast %multiple_of3A_271 : i32 to index
        %get3A_274 = tpu.vector_load %arg13[%get3A_272, %get3A_273] {strides = array<i32>} : memref<208x128xf32, #tpu.memory_space<vmem>>, vector<1x16xf32>,
        %get3A_275 = vector.shape_cast %get3A_274 : vector<1x16xf32> to vector<16xf32>
        %add3A_276 = arith.constant 16 : i32
        %add3A_277 = arith.addi %multiple_of3A_246, %add3A_276 : i32
        %multiple_of3A_278 = tpu.assume_multiple %add3A_277, 16 : i32
        %get3A_279 = arith.index_cast %add3A_248 : i32 to index
        %get3A_280 = arith.index_cast %multiple_of3A_278 : i32 to index
        %get3A_281 = tpu.vector_load %arg14[%get3A_279, %get3A_280] {strides = array<i32>} : memref<208x128xf32, #tpu.memory_space<vmem>>, vector<1x16xf32>,
        %get3A_282 = vector.shape_cast %get3A_281 : vector<1x16xf32> to vector<16xf32>
        %mul3A_283 = arith.mulf %get3A_275, %get3A_282 : vector<16xf32>
        %swap3A_284 = arith.index_cast %scan3A_34 : i32 to index
        %swap3A_285 = arith.constant 144 : index
        %swap3A_286 = tpu.vector_load %arg15[%swap3A_284, %swap3A_285] {strides = array<i32>} : memref<8x832xf32, #tpu.memory_space<vmem>>, vector<1x16xf32>,
        %swap3A_287 = vector.shape_cast %swap3A_286 : vector<1x16xf32> to vector<16xf32>
        %swap3A_288 = vector.shape_cast %mul3A_283 : vector<16xf32> to vector<1x16xf32>
        tpu.vector_store %arg15[%swap3A_284, %swap3A_285], %swap3A_288 {strides = array<i32>} : memref<8x832xf32, #tpu.memory_space<vmem>>, vector<1x16xf32>,
        %slice3A_289 = vector.extract_strided_slice %get3A_38 {offsets = [5], sizes = [1], strides = [1]} : vector<16xi32> to vector<1xi32>
        %squeeze3A_290 = vector.extract %slice3A_289[0] : i32 from vector<1xi32>
        %multiple_of3A_291 = tpu.assume_multiple %squeeze3A_290, 32 : i32
        %slice3A_292 = vector.extract_strided_slice %get3A_46 {offsets = [5], sizes = [1], strides = [1]} : vector<16xi32> to vector<1xi32>
        %squeeze3A_293 = vector.extract %slice3A_292[0] : i32 from vector<1xi32>
        %multiple_of3A_294 = tpu.assume_multiple %squeeze3A_293, 32 : i32
        %add3A_295 = arith.constant 5 : i32
        %add3A_296 = arith.addi %mul3A_36, %add3A_295 : i32
        %add3A_297 = arith.constant 0 : i32
        %add3A_298 = arith.addi %multiple_of3A_291, %add3A_297 : i32
        %multiple_of3A_299 = tpu.assume_multiple %add3A_298, 16 : i32
        %get3A_300 = arith.index_cast %add3A_296 : i32 to index
        %get3A_301 = arith.index_cast %multiple_of3A_299 : i32 to index
        %get3A_302 = tpu.vector_load %arg13[%get3A_300, %get3A_301] {strides = array<i32>} : memref<208x128xf32, #tpu.memory_space<vmem>>, vector<1x16xf32>,
        %get3A_303 = vector.shape_cast %get3A_302 : vector<1x16xf32> to vector<16xf32>
        %add3A_304 = arith.constant 0 : i32
        %add3A_305 = arith.addi %multiple_of3A_294, %add3A_304 : i32
        %multiple_of3A_306 = tpu.assume_multiple %add3A_305, 16 : i32
        %get3A_307 = arith.index_cast %add3A_296 : i32 to index
        %get3A_308 = arith.index_cast %multiple_of3A_306 : i32 to index
        %get3A_309 = tpu.vector_load %arg14[%get3A_307, %get3A_308] {strides = array<i32>} : memref<208x128xf32, #tpu.memory_space<vmem>>, vector<1x16xf32>,
        %get3A_310 = vector.shape_cast %get3A_309 : vector<1x16xf32> to vector<16xf32>
        %mul3A_311 = arith.mulf %get3A_303, %get3A_310 : vector<16xf32>
        %swap3A_312 = arith.index_cast %scan3A_34 : i32 to index
        %swap3A_313 = arith.constant 160 : index
        %swap3A_314 = tpu.vector_load %arg15[%swap3A_312, %swap3A_313] {strides = array<i32>} : memref<8x832xf32, #tpu.memory_space<vmem>>, vector<1x16xf32>,
        %swap3A_315 = vector.shape_cast %swap3A_314 : vector<1x16xf32> to vector<16xf32>
        %swap3A_316 = vector.shape_cast %mul3A_311 : vector<16xf32> to vector<1x16xf32>
        tpu.vector_store %arg15[%swap3A_312, %swap3A_313], %swap3A_316 {strides = array<i32>} : memref<8x832xf32, #tpu.memory_space<vmem>>, vector<1x16xf32>,
        %add3A_317 = arith.constant 16 : i32
        %add3A_318 = arith.addi %multiple_of3A_291, %add3A_317 : i32
        %multiple_of3A_319 = tpu.assume_multiple %add3A_318, 16 : i32
        %get3A_320 = arith.index_cast %add3A_296 : i32 to index
        %get3A_321 = arith.index_cast %multiple_of3A_319 : i32 to index
        %get3A_322 = tpu.vector_load %arg13[%get3A_320, %get3A_321] {strides = array<i32>} : memref<208x128xf32, #tpu.memory_space<vmem>>, vector<1x16xf32>,
        %get3A_323 = vector.shape_cast %get3A_322 : vector<1x16xf32> to vector<16xf32>
        %add3A_324 = arith.constant 16 : i32
        %add3A_325 = arith.addi %multiple_of3A_294, %add3A_324 : i32
        %multiple_of3A_326 = tpu.assume_multiple %add3A_325, 16 : i32
        %get3A_327 = arith.index_cast %add3A_296 : i32 to index
        %get3A_328 = arith.index_cast %multiple_of3A_326 : i32 to index
        %get3A_329 = tpu.vector_load %arg14[%get3A_327, %get3A_328] {strides = array<i32>} : memref<208x128xf32, #tpu.memory_space<vmem>>, vector<1x16xf32>,
        %get3A_330 = vector.shape_cast %get3A_329 : vector<1x16xf32> to vector<16xf32>
        %mul3A_331 = arith.mulf %get3A_323, %get3A_330 : vector<16xf32>
        %swap3A_332 = arith.index_cast %scan3A_34 : i32 to index
        %swap3A_333 = arith.constant 176 : index
        %swap3A_334 = tpu.vector_load %arg15[%swap3A_332, %swap3A_333] {strides = array<i32>} : memref<8x832xf32, #tpu.memory_space<vmem>>, vector<1x16xf32>,
        %swap3A_335 = vector.shape_cast %swap3A_334 : vector<1x16xf32> to vector<16xf32>
        %swap3A_336 = vector.shape_cast %mul3A_331 : vector<16xf32> to vector<1x16xf32>
        tpu.vector_store %arg15[%swap3A_332, %swap3A_333], %swap3A_336 {strides = array<i32>} : memref<8x832xf32, #tpu.memory_space<vmem>>, vector<1x16xf32>,
        %slice3A_337 = vector.extract_strided_slice %get3A_38 {offsets = [6], sizes = [1], strides = [1]} : vector<16xi32> to vector<1xi32>
        %squeeze3A_338 = vector.extract %slice3A_337[0] : i32 from vector<1xi32>
        %multiple_of3A_339 = tpu.assume_multiple %squeeze3A_338, 32 : i32
        %slice3A_340 = vector.extract_strided_slice %get3A_46 {offsets = [6], sizes = [1], strides = [1]} : vector<16xi32> to vector<1xi32>
        %squeeze3A_341 = vector.extract %slice3A_340[0] : i32 from vector<1xi32>
        %multiple_of3A_342 = tpu.assume_multiple %squeeze3A_341, 32 : i32
        %add3A_343 = arith.constant 6 : i32
        %add3A_344 = arith.addi %mul3A_36, %add3A_343 : i32
        %add3A_345 = arith.constant 0 : i32
        %add3A_346 = arith.addi %multiple_of3A_339, %add3A_345 : i32
        %multiple_of3A_347 = tpu.assume_multiple %add3A_346, 16 : i32
        %get3A_348 = arith.index_cast %add3A_344 : i32 to index
        %get3A_349 = arith.index_cast %multiple_of3A_347 : i32 to index
        %get3A_350 = tpu.vector_load %arg13[%get3A_348, %get3A_349] {strides = array<i32>} : memref<208x128xf32, #tpu.memory_space<vmem>>, vector<1x16xf32>,
        %get3A_351 = vector.shape_cast %get3A_350 : vector<1x16xf32> to vector<16xf32>
        %add3A_352 = arith.constant 0 : i32
        %add3A_353 = arith.addi %multiple_of3A_342, %add3A_352 : i32
        %multiple_of3A_354 = tpu.assume_multiple %add3A_353, 16 : i32
        %get3A_355 = arith.index_cast %add3A_344 : i32 to index
        %get3A_356 = arith.index_cast %multiple_of3A_354 : i32 to index
        %get3A_357 = tpu.vector_load %arg14[%get3A_355, %get3A_356] {strides = array<i32>} : memref<208x128xf32, #tpu.memory_space<vmem>>, vector<1x16xf32>,
        %get3A_358 = vector.shape_cast %get3A_357 : vector<1x16xf32> to vector<16xf32>
        %mul3A_359 = arith.mulf %get3A_351, %get3A_358 : vector<16xf32>
        %swap3A_360 = arith.index_cast %scan3A_34 : i32 to index
        %swap3A_361 = arith.constant 192 : index
        %swap3A_362 = tpu.vector_load %arg15[%swap3A_360, %swap3A_361] {strides = array<i32>} : memref<8x832xf32, #tpu.memory_space<vmem>>, vector<1x16xf32>,
        %swap3A_363 = vector.shape_cast %swap3A_362 : vector<1x16xf32> to vector<16xf32>
        %swap3A_364 = vector.shape_cast %mul3A_359 : vector<16xf32> to vector<1x16xf32>
        tpu.vector_store %arg15[%swap3A_360, %swap3A_361], %swap3A_364 {strides = array<i32>} : memref<8x832xf32, #tpu.memory_space<vmem>>, vector<1x16xf32>,
        %add3A_365 = arith.constant 16 : i32
        %add3A_366 = arith.addi %multiple_of3A_339, %add3A_365 : i32
        %multiple_of3A_367 = tpu.assume_multiple %add3A_366, 16 : i32
        %get3A_368 = arith.index_cast %add3A_344 : i32 to index
        %get3A_369 = arith.index_cast %multiple_of3A_367 : i32 to index
        %get3A_370 = tpu.vector_load %arg13[%get3A_368, %get3A_369] {strides = array<i32>} : memref<208x128xf32, #tpu.memory_space<vmem>>, vector<1x16xf32>,
        %get3A_371 = vector.shape_cast %get3A_370 : vector<1x16xf32> to vector<16xf32>
        %add3A_372 = arith.constant 16 : i32
        %add3A_373 = arith.addi %multiple_of3A_342, %add3A_372 : i32
        %multiple_of3A_374 = tpu.assume_multiple %add3A_373, 16 : i32
        %get3A_375 = arith.index_cast %add3A_344 : i32 to index
        %get3A_376 = arith.index_cast %multiple_of3A_374 : i32 to index
        %get3A_377 = tpu.vector_load %arg14[%get3A_375, %get3A_376] {strides = array<i32>} : memref<208x128xf32, #tpu.memory_space<vmem>>, vector<1x16xf32>,
        %get3A_378 = vector.shape_cast %get3A_377 : vector<1x16xf32> to vector<16xf32>
        %mul3A_379 = arith.mulf %get3A_371, %get3A_378 : vector<16xf32>
        %swap3A_380 = arith.index_cast %scan3A_34 : i32 to index
        %swap3A_381 = arith.constant 208 : index
        %swap3A_382 = tpu.vector_load %arg15[%swap3A_380, %swap3A_381] {strides = array<i32>} : memref<8x832xf32, #tpu.memory_space<vmem>>, vector<1x16xf32>,
        %swap3A_383 = vector.shape_cast %swap3A_382 : vector<1x16xf32> to vector<16xf32>
        %swap3A_384 = vector.shape_cast %mul3A_379 : vector<16xf32> to vector<1x16xf32>
        tpu.vector_store %arg15[%swap3A_380, %swap3A_381], %swap3A_384 {strides = array<i32>} : memref<8x832xf32, #tpu.memory_space<vmem>>, vector<1x16xf32>,
        %slice3A_385 = vector.extract_strided_slice %get3A_38 {offsets = [7], sizes = [1], strides = [1]} : vector<16xi32> to vector<1xi32>
        %squeeze3A_386 = vector.extract %slice3A_385[0] : i32 from vector<1xi32>
        %multiple_of3A_387 = tpu.assume_multiple %squeeze3A_386, 32 : i32
        %slice3A_388 = vector.extract_strided_slice %get3A_46 {offsets = [7], sizes = [1], strides = [1]} : vector<16xi32> to vector<1xi32>
        %squeeze3A_389 = vector.extract %slice3A_388[0] : i32 from vector<1xi32>
        %multiple_of3A_390 = tpu.assume_multiple %squeeze3A_389, 32 : i32
        %add3A_391 = arith.constant 7 : i32
        %add3A_392 = arith.addi %mul3A_36, %add3A_391 : i32
        %add3A_393 = arith.constant 0 : i32
        %add3A_394 = arith.addi %multiple_of3A_387, %add3A_393 : i32
        %multiple_of3A_395 = tpu.assume_multiple %add3A_394, 16 : i32
        %get3A_396 = arith.index_cast %add3A_392 : i32 to index
        %get3A_397 = arith.index_cast %multiple_of3A_395 : i32 to index
        %get3A_398 = tpu.vector_load %arg13[%get3A_396, %get3A_397] {strides = array<i32>} : memref<208x128xf32, #tpu.memory_space<vmem>>, vector<1x16xf32>,
        %get3A_399 = vector.shape_cast %get3A_398 : vector<1x16xf32> to vector<16xf32>
        %add3A_400 = arith.constant 0 : i32
        %add3A_401 = arith.addi %multiple_of3A_390, %add3A_400 : i32
        %multiple_of3A_402 = tpu.assume_multiple %add3A_401, 16 : i32
        %get3A_403 = arith.index_cast %add3A_392 : i32 to index
        %get3A_404 = arith.index_cast %multiple_of3A_402 : i32 to index
        %get3A_405 = tpu.vector_load %arg14[%get3A_403, %get3A_404] {strides = array<i32>} : memref<208x128xf32, #tpu.memory_space<vmem>>, vector<1x16xf32>,
        %get3A_406 = vector.shape_cast %get3A_405 : vector<1x16xf32> to vector<16xf32>
        %mul3A_407 = arith.mulf %get3A_399, %get3A_406 : vector<16xf32>
        %swap3A_408 = arith.index_cast %scan3A_34 : i32 to index
        %swap3A_409 = arith.constant 224 : index
        %swap3A_410 = tpu.vector_load %arg15[%swap3A_408, %swap3A_409] {strides = array<i32>} : memref<8x832xf32, #tpu.memory_space<vmem>>, vector<1x16xf32>,
        %swap3A_411 = vector.shape_cast %swap3A_410 : vector<1x16xf32> to vector<16xf32>
        %swap3A_412 = vector.shape_cast %mul3A_407 : vector<16xf32> to vector<1x16xf32>
        tpu.vector_store %arg15[%swap3A_408, %swap3A_409], %swap3A_412 {strides = array<i32>} : memref<8x832xf32, #tpu.memory_space<vmem>>, vector<1x16xf32>,
        %add3A_413 = arith.constant 16 : i32
        %add3A_414 = arith.addi %multiple_of3A_387, %add3A_413 : i32
        %multiple_of3A_415 = tpu.assume_multiple %add3A_414, 16 : i32
        %get3A_416 = arith.index_cast %add3A_392 : i32 to index
        %get3A_417 = arith.index_cast %multiple_of3A_415 : i32 to index
        %get3A_418 = tpu.vector_load %arg13[%get3A_416, %get3A_417] {strides = array<i32>} : memref<208x128xf32, #tpu.memory_space<vmem>>, vector<1x16xf32>,
        %get3A_419 = vector.shape_cast %get3A_418 : vector<1x16xf32> to vector<16xf32>
        %add3A_420 = arith.constant 16 : i32
        %add3A_421 = arith.addi %multiple_of3A_390, %add3A_420 : i32
        %multiple_of3A_422 = tpu.assume_multiple %add3A_421, 16 : i32
        %get3A_423 = arith.index_cast %add3A_392 : i32 to index
        %get3A_424 = arith.index_cast %multiple_of3A_422 : i32 to index
        %get3A_425 = tpu.vector_load %arg14[%get3A_423, %get3A_424] {strides = array<i32>} : memref<208x128xf32, #tpu.memory_space<vmem>>, vector<1x16xf32>,
        %get3A_426 = vector.shape_cast %get3A_425 : vector<1x16xf32> to vector<16xf32>
        %mul3A_427 = arith.mulf %get3A_419, %get3A_426 : vector<16xf32>
        %swap3A_428 = arith.index_cast %scan3A_34 : i32 to index
        %swap3A_429 = arith.constant 240 : index
        %swap3A_430 = tpu.vector_load %arg15[%swap3A_428, %swap3A_429] {strides = array<i32>} : memref<8x832xf32, #tpu.memory_space<vmem>>, vector<1x16xf32>,
        %swap3A_431 = vector.shape_cast %swap3A_430 : vector<1x16xf32> to vector<16xf32>
        %swap3A_432 = vector.shape_cast %mul3A_427 : vector<16xf32> to vector<1x16xf32>
        tpu.vector_store %arg15[%swap3A_428, %swap3A_429], %swap3A_432 {strides = array<i32>} : memref<8x832xf32, #tpu.memory_space<vmem>>, vector<1x16xf32>,
        %slice3A_433 = vector.extract_strided_slice %get3A_38 {offsets = [8], sizes = [1], strides = [1]} : vector<16xi32> to vector<1xi32>
        %squeeze3A_434 = vector.extract %slice3A_433[0] : i32 from vector<1xi32>
        %multiple_of3A_435 = tpu.assume_multiple %squeeze3A_434, 32 : i32
        %slice3A_436 = vector.extract_strided_slice %get3A_46 {offsets = [8], sizes = [1], strides = [1]} : vector<16xi32> to vector<1xi32>
        %squeeze3A_437 = vector.extract %slice3A_436[0] : i32 from vector<1xi32>
        %multiple_of3A_438 = tpu.assume_multiple %squeeze3A_437, 32 : i32
        %add3A_439 = arith.constant 8 : i32
        %add3A_440 = arith.addi %mul3A_36, %add3A_439 : i32
        %add3A_441 = arith.constant 0 : i32
        %add3A_442 = arith.addi %multiple_of3A_435, %add3A_441 : i32
        %multiple_of3A_443 = tpu.assume_multiple %add3A_442, 16 : i32
        %get3A_444 = arith.index_cast %add3A_440 : i32 to index
        %get3A_445 = arith.index_cast %multiple_of3A_443 : i32 to index
        %get3A_446 = tpu.vector_load %arg13[%get3A_444, %get3A_445] {strides = array<i32>} : memref<208x128xf32, #tpu.memory_space<vmem>>, vector<1x16xf32>,
        %get3A_447 = vector.shape_cast %get3A_446 : vector<1x16xf32> to vector<16xf32>
        %add3A_448 = arith.constant 0 : i32
        %add3A_449 = arith.addi %multiple_of3A_438, %add3A_448 : i32
        %multiple_of3A_450 = tpu.assume_multiple %add3A_449, 16 : i32
        %get3A_451 = arith.index_cast %add3A_440 : i32 to index
        %get3A_452 = arith.index_cast %multiple_of3A_450 : i32 to index
        %get3A_453 = tpu.vector_load %arg14[%get3A_451, %get3A_452] {strides = array<i32>} : memref<208x128xf32, #tpu.memory_space<vmem>>, vector<1x16xf32>,
        %get3A_454 = vector.shape_cast %get3A_453 : vector<1x16xf32> to vector<16xf32>
        %mul3A_455 = arith.mulf %get3A_447, %get3A_454 : vector<16xf32>
        %swap3A_456 = arith.index_cast %scan3A_34 : i32 to index
        %swap3A_457 = arith.constant 256 : index
        %swap3A_458 = tpu.vector_load %arg15[%swap3A_456, %swap3A_457] {strides = array<i32>} : memref<8x832xf32, #tpu.memory_space<vmem>>, vector<1x16xf32>,
        %swap3A_459 = vector.shape_cast %swap3A_458 : vector<1x16xf32> to vector<16xf32>
        %swap3A_460 = vector.shape_cast %mul3A_455 : vector<16xf32> to vector<1x16xf32>
        tpu.vector_store %arg15[%swap3A_456, %swap3A_457], %swap3A_460 {strides = array<i32>} : memref<8x832xf32, #tpu.memory_space<vmem>>, vector<1x16xf32>,
        %add3A_461 = arith.constant 16 : i32
        %add3A_462 = arith.addi %multiple_of3A_435, %add3A_461 : i32
        %multiple_of3A_463 = tpu.assume_multiple %add3A_462, 16 : i32
        %get3A_464 = arith.index_cast %add3A_440 : i32 to index
        %get3A_465 = arith.index_cast %multiple_of3A_463 : i32 to index
        %get3A_466 = tpu.vector_load %arg13[%get3A_464, %get3A_465] {strides = array<i32>} : memref<208x128xf32, #tpu.memory_space<vmem>>, vector<1x16xf32>,
        %get3A_467 = vector.shape_cast %get3A_466 : vector<1x16xf32> to vector<16xf32>
        %add3A_468 = arith.constant 16 : i32
        %add3A_469 = arith.addi %multiple_of3A_438, %add3A_468 : i32
        %multiple_of3A_470 = tpu.assume_multiple %add3A_469, 16 : i32
        %get3A_471 = arith.index_cast %add3A_440 : i32 to index
        %get3A_472 = arith.index_cast %multiple_of3A_470 : i32 to index
        %get3A_473 = tpu.vector_load %arg14[%get3A_471, %get3A_472] {strides = array<i32>} : memref<208x128xf32, #tpu.memory_space<vmem>>, vector<1x16xf32>,
        %get3A_474 = vector.shape_cast %get3A_473 : vector<1x16xf32> to vector<16xf32>
        %mul3A_475 = arith.mulf %get3A_467, %get3A_474 : vector<16xf32>
        %swap3A_476 = arith.index_cast %scan3A_34 : i32 to index
        %swap3A_477 = arith.constant 272 : index
        %swap3A_478 = tpu.vector_load %arg15[%swap3A_476, %swap3A_477] {strides = array<i32>} : memref<8x832xf32, #tpu.memory_space<vmem>>, vector<1x16xf32>,
        %swap3A_479 = vector.shape_cast %swap3A_478 : vector<1x16xf32> to vector<16xf32>
        %swap3A_480 = vector.shape_cast %mul3A_475 : vector<16xf32> to vector<1x16xf32>
        tpu.vector_store %arg15[%swap3A_476, %swap3A_477], %swap3A_480 {strides = array<i32>} : memref<8x832xf32, #tpu.memory_space<vmem>>, vector<1x16xf32>,
        %slice3A_481 = vector.extract_strided_slice %get3A_38 {offsets = [9], sizes = [1], strides = [1]} : vector<16xi32> to vector<1xi32>
        %squeeze3A_482 = vector.extract %slice3A_481[0] : i32 from vector<1xi32>
        %multiple_of3A_483 = tpu.assume_multiple %squeeze3A_482, 32 : i32
        %slice3A_484 = vector.extract_strided_slice %get3A_46 {offsets = [9], sizes = [1], strides = [1]} : vector<16xi32> to vector<1xi32>
        %squeeze3A_485 = vector.extract %slice3A_484[0] : i32 from vector<1xi32>
        %multiple_of3A_486 = tpu.assume_multiple %squeeze3A_485, 32 : i32
        %add3A_487 = arith.constant 9 : i32
        %add3A_488 = arith.addi %mul3A_36, %add3A_487 : i32
        %add3A_489 = arith.constant 0 : i32
        %add3A_490 = arith.addi %multiple_of3A_483, %add3A_489 : i32
        %multiple_of3A_491 = tpu.assume_multiple %add3A_490, 16 : i32
        %get3A_492 = arith.index_cast %add3A_488 : i32 to index
        %get3A_493 = arith.index_cast %multiple_of3A_491 : i32 to index
        %get3A_494 = tpu.vector_load %arg13[%get3A_492, %get3A_493] {strides = array<i32>} : memref<208x128xf32, #tpu.memory_space<vmem>>, vector<1x16xf32>,
        %get3A_495 = vector.shape_cast %get3A_494 : vector<1x16xf32> to vector<16xf32>
        %add3A_496 = arith.constant 0 : i32
        %add3A_497 = arith.addi %multiple_of3A_486, %add3A_496 : i32
        %multiple_of3A_498 = tpu.assume_multiple %add3A_497, 16 : i32
        %get3A_499 = arith.index_cast %add3A_488 : i32 to index
        %get3A_500 = arith.index_cast %multiple_of3A_498 : i32 to index
        %get3A_501 = tpu.vector_load %arg14[%get3A_499, %get3A_500] {strides = array<i32>} : memref<208x128xf32, #tpu.memory_space<vmem>>, vector<1x16xf32>,
        %get3A_502 = vector.shape_cast %get3A_501 : vector<1x16xf32> to vector<16xf32>
        %mul3A_503 = arith.mulf %get3A_495, %get3A_502 : vector<16xf32>
        %swap3A_504 = arith.index_cast %scan3A_34 : i32 to index
        %swap3A_505 = arith.constant 288 : index
        %swap3A_506 = tpu.vector_load %arg15[%swap3A_504, %swap3A_505] {strides = array<i32>} : memref<8x832xf32, #tpu.memory_space<vmem>>, vector<1x16xf32>,
        %swap3A_507 = vector.shape_cast %swap3A_506 : vector<1x16xf32> to vector<16xf32>
        %swap3A_508 = vector.shape_cast %mul3A_503 : vector<16xf32> to vector<1x16xf32>
        tpu.vector_store %arg15[%swap3A_504, %swap3A_505], %swap3A_508 {strides = array<i32>} : memref<8x832xf32, #tpu.memory_space<vmem>>, vector<1x16xf32>,
        %add3A_509 = arith.constant 16 : i32
        %add3A_510 = arith.addi %multiple_of3A_483, %add3A_509 : i32
        %multiple_of3A_511 = tpu.assume_multiple %add3A_510, 16 : i32
        %get3A_512 = arith.index_cast %add3A_488 : i32 to index
        %get3A_513 = arith.index_cast %multiple_of3A_511 : i32 to index
        %get3A_514 = tpu.vector_load %arg13[%get3A_512, %get3A_513] {strides = array<i32>} : memref<208x128xf32, #tpu.memory_space<vmem>>, vector<1x16xf32>,
        %get3A_515 = vector.shape_cast %get3A_514 : vector<1x16xf32> to vector<16xf32>
        %add3A_516 = arith.constant 16 : i32
        %add3A_517 = arith.addi %multiple_of3A_486, %add3A_516 : i32
        %multiple_of3A_518 = tpu.assume_multiple %add3A_517, 16 : i32
        %get3A_519 = arith.index_cast %add3A_488 : i32 to index
        %get3A_520 = arith.index_cast %multiple_of3A_518 : i32 to index
        %get3A_521 = tpu.vector_load %arg14[%get3A_519, %get3A_520] {strides = array<i32>} : memref<208x128xf32, #tpu.memory_space<vmem>>, vector<1x16xf32>,
        %get3A_522 = vector.shape_cast %get3A_521 : vector<1x16xf32> to vector<16xf32>
        %mul3A_523 = arith.mulf %get3A_515, %get3A_522 : vector<16xf32>
        %swap3A_524 = arith.index_cast %scan3A_34 : i32 to index
        %swap3A_525 = arith.constant 304 : index
        %swap3A_526 = tpu.vector_load %arg15[%swap3A_524, %swap3A_525] {strides = array<i32>} : memref<8x832xf32, #tpu.memory_space<vmem>>, vector<1x16xf32>,
        %swap3A_527 = vector.shape_cast %swap3A_526 : vector<1x16xf32> to vector<16xf32>
        %swap3A_528 = vector.shape_cast %mul3A_523 : vector<16xf32> to vector<1x16xf32>
        tpu.vector_store %arg15[%swap3A_524, %swap3A_525], %swap3A_528 {strides = array<i32>} : memref<8x832xf32, #tpu.memory_space<vmem>>, vector<1x16xf32>,
        %slice3A_529 = vector.extract_strided_slice %get3A_38 {offsets = [10], sizes = [1], strides = [1]} : vector<16xi32> to vector<1xi32>
        %squeeze3A_530 = vector.extract %slice3A_529[0] : i32 from vector<1xi32>
        %multiple_of3A_531 = tpu.assume_multiple %squeeze3A_530, 32 : i32
        %slice3A_532 = vector.extract_strided_slice %get3A_46 {offsets = [10], sizes = [1], strides = [1]} : vector<16xi32> to vector<1xi32>
        %squeeze3A_533 = vector.extract %slice3A_532[0] : i32 from vector<1xi32>
        %multiple_of3A_534 = tpu.assume_multiple %squeeze3A_533, 32 : i32
        %add3A_535 = arith.constant 10 : i32
        %add3A_536 = arith.addi %mul3A_36, %add3A_535 : i32
        %add3A_537 = arith.constant 0 : i32
        %add3A_538 = arith.addi %multiple_of3A_531, %add3A_537 : i32
        %multiple_of3A_539 = tpu.assume_multiple %add3A_538, 16 : i32
        %get3A_540 = arith.index_cast %add3A_536 : i32 to index
        %get3A_541 = arith.index_cast %multiple_of3A_539 : i32 to index
        %get3A_542 = tpu.vector_load %arg13[%get3A_540, %get3A_541] {strides = array<i32>} : memref<208x128xf32, #tpu.memory_space<vmem>>, vector<1x16xf32>,
        %get3A_543 = vector.shape_cast %get3A_542 : vector<1x16xf32> to vector<16xf32>
        %add3A_544 = arith.constant 0 : i32
        %add3A_545 = arith.addi %multiple_of3A_534, %add3A_544 : i32
        %multiple_of3A_546 = tpu.assume_multiple %add3A_545, 16 : i32
        %get3A_547 = arith.index_cast %add3A_536 : i32 to index
        %get3A_548 = arith.index_cast %multiple_of3A_546 : i32 to index
        %get3A_549 = tpu.vector_load %arg14[%get3A_547, %get3A_548] {strides = array<i32>} : memref<208x128xf32, #tpu.memory_space<vmem>>, vector<1x16xf32>,
        %get3A_550 = vector.shape_cast %get3A_549 : vector<1x16xf32> to vector<16xf32>
        %mul3A_551 = arith.mulf %get3A_543, %get3A_550 : vector<16xf32>
        %swap3A_552 = arith.index_cast %scan3A_34 : i32 to index
        %swap3A_553 = arith.constant 320 : index
        %swap3A_554 = tpu.vector_load %arg15[%swap3A_552, %swap3A_553] {strides = array<i32>} : memref<8x832xf32, #tpu.memory_space<vmem>>, vector<1x16xf32>,
        %swap3A_555 = vector.shape_cast %swap3A_554 : vector<1x16xf32> to vector<16xf32>
        %swap3A_556 = vector.shape_cast %mul3A_551 : vector<16xf32> to vector<1x16xf32>
        tpu.vector_store %arg15[%swap3A_552, %swap3A_553], %swap3A_556 {strides = array<i32>} : memref<8x832xf32, #tpu.memory_space<vmem>>, vector<1x16xf32>,
        %add3A_557 = arith.constant 16 : i32
        %add3A_558 = arith.addi %multiple_of3A_531, %add3A_557 : i32
        %multiple_of3A_559 = tpu.assume_multiple %add3A_558, 16 : i32
        %get3A_560 = arith.index_cast %add3A_536 : i32 to index
        %get3A_561 = arith.index_cast %multiple_of3A_559 : i32 to index
        %get3A_562 = tpu.vector_load %arg13[%get3A_560, %get3A_561] {strides = array<i32>} : memref<208x128xf32, #tpu.memory_space<vmem>>, vector<1x16xf32>,
        %get3A_563 = vector.shape_cast %get3A_562 : vector<1x16xf32> to vector<16xf32>
        %add3A_564 = arith.constant 16 : i32
        %add3A_565 = arith.addi %multiple_of3A_534, %add3A_564 : i32
        %multiple_of3A_566 = tpu.assume_multiple %add3A_565, 16 : i32
        %get3A_567 = arith.index_cast %add3A_536 : i32 to index
        %get3A_568 = arith.index_cast %multiple_of3A_566 : i32 to index
        %get3A_569 = tpu.vector_load %arg14[%get3A_567, %get3A_568] {strides = array<i32>} : memref<208x128xf32, #tpu.memory_space<vmem>>, vector<1x16xf32>,
        %get3A_570 = vector.shape_cast %get3A_569 : vector<1x16xf32> to vector<16xf32>
        %mul3A_571 = arith.mulf %get3A_563, %get3A_570 : vector<16xf32>
        %swap3A_572 = arith.index_cast %scan3A_34 : i32 to index
        %swap3A_573 = arith.constant 336 : index
        %swap3A_574 = tpu.vector_load %arg15[%swap3A_572, %swap3A_573] {strides = array<i32>} : memref<8x832xf32, #tpu.memory_space<vmem>>, vector<1x16xf32>,
        %swap3A_575 = vector.shape_cast %swap3A_574 : vector<1x16xf32> to vector<16xf32>
        %swap3A_576 = vector.shape_cast %mul3A_571 : vector<16xf32> to vector<1x16xf32>
        tpu.vector_store %arg15[%swap3A_572, %swap3A_573], %swap3A_576 {strides = array<i32>} : memref<8x832xf32, #tpu.memory_space<vmem>>, vector<1x16xf32>,
        %slice3A_577 = vector.extract_strided_slice %get3A_38 {offsets = [11], sizes = [1], strides = [1]} : vector<16xi32> to vector<1xi32>
        %squeeze3A_578 = vector.extract %slice3A_577[0] : i32 from vector<1xi32>
        %multiple_of3A_579 = tpu.assume_multiple %squeeze3A_578, 32 : i32
        %slice3A_580 = vector.extract_strided_slice %get3A_46 {offsets = [11], sizes = [1], strides = [1]} : vector<16xi32> to vector<1xi32>
        %squeeze3A_581 = vector.extract %slice3A_580[0] : i32 from vector<1xi32>
        %multiple_of3A_582 = tpu.assume_multiple %squeeze3A_581, 32 : i32
        %add3A_583 = arith.constant 11 : i32
        %add3A_584 = arith.addi %mul3A_36, %add3A_583 : i32
        %add3A_585 = arith.constant 0 : i32
        %add3A_586 = arith.addi %multiple_of3A_579, %add3A_585 : i32
        %multiple_of3A_587 = tpu.assume_multiple %add3A_586, 16 : i32
        %get3A_588 = arith.index_cast %add3A_584 : i32 to index
        %get3A_589 = arith.index_cast %multiple_of3A_587 : i32 to index
        %get3A_590 = tpu.vector_load %arg13[%get3A_588, %get3A_589] {strides = array<i32>} : memref<208x128xf32, #tpu.memory_space<vmem>>, vector<1x16xf32>,
        %get3A_591 = vector.shape_cast %get3A_590 : vector<1x16xf32> to vector<16xf32>
        %add3A_592 = arith.constant 0 : i32
        %add3A_593 = arith.addi %multiple_of3A_582, %add3A_592 : i32
        %multiple_of3A_594 = tpu.assume_multiple %add3A_593, 16 : i32
        %get3A_595 = arith.index_cast %add3A_584 : i32 to index
        %get3A_596 = arith.index_cast %multiple_of3A_594 : i32 to index
        %get3A_597 = tpu.vector_load %arg14[%get3A_595, %get3A_596] {strides = array<i32>} : memref<208x128xf32, #tpu.memory_space<vmem>>, vector<1x16xf32>,
        %get3A_598 = vector.shape_cast %get3A_597 : vector<1x16xf32> to vector<16xf32>
        %mul3A_599 = arith.mulf %get3A_591, %get3A_598 : vector<16xf32>
        %swap3A_600 = arith.index_cast %scan3A_34 : i32 to index
        %swap3A_601 = arith.constant 352 : index
        %swap3A_602 = tpu.vector_load %arg15[%swap3A_600, %swap3A_601] {strides = array<i32>} : memref<8x832xf32, #tpu.memory_space<vmem>>, vector<1x16xf32>,
        %swap3A_603 = vector.shape_cast %swap3A_602 : vector<1x16xf32> to vector<16xf32>
        %swap3A_604 = vector.shape_cast %mul3A_599 : vector<16xf32> to vector<1x16xf32>
        tpu.vector_store %arg15[%swap3A_600, %swap3A_601], %swap3A_604 {strides = array<i32>} : memref<8x832xf32, #tpu.memory_space<vmem>>, vector<1x16xf32>,
        %add3A_605 = arith.constant 16 : i32
        %add3A_606 = arith.addi %multiple_of3A_579, %add3A_605 : i32
        %multiple_of3A_607 = tpu.assume_multiple %add3A_606, 16 : i32
        %get3A_608 = arith.index_cast %add3A_584 : i32 to index
        %get3A_609 = arith.index_cast %multiple_of3A_607 : i32 to index
        %get3A_610 = tpu.vector_load %arg13[%get3A_608, %get3A_609] {strides = array<i32>} : memref<208x128xf32, #tpu.memory_space<vmem>>, vector<1x16xf32>,
        %get3A_611 = vector.shape_cast %get3A_610 : vector<1x16xf32> to vector<16xf32>
        %add3A_612 = arith.constant 16 : i32
        %add3A_613 = arith.addi %multiple_of3A_582, %add3A_612 : i32
        %multiple_of3A_614 = tpu.assume_multiple %add3A_613, 16 : i32
        %get3A_615 = arith.index_cast %add3A_584 : i32 to index
        %get3A_616 = arith.index_cast %multiple_of3A_614 : i32 to index
        %get3A_617 = tpu.vector_load %arg14[%get3A_615, %get3A_616] {strides = array<i32>} : memref<208x128xf32, #tpu.memory_space<vmem>>, vector<1x16xf32>,
        %get3A_618 = vector.shape_cast %get3A_617 : vector<1x16xf32> to vector<16xf32>
        %mul3A_619 = arith.mulf %get3A_611, %get3A_618 : vector<16xf32>
        %swap3A_620 = arith.index_cast %scan3A_34 : i32 to index
        %swap3A_621 = arith.constant 368 : index
        %swap3A_622 = tpu.vector_load %arg15[%swap3A_620, %swap3A_621] {strides = array<i32>} : memref<8x832xf32, #tpu.memory_space<vmem>>, vector<1x16xf32>,
        %swap3A_623 = vector.shape_cast %swap3A_622 : vector<1x16xf32> to vector<16xf32>
        %swap3A_624 = vector.shape_cast %mul3A_619 : vector<16xf32> to vector<1x16xf32>
        tpu.vector_store %arg15[%swap3A_620, %swap3A_621], %swap3A_624 {strides = array<i32>} : memref<8x832xf32, #tpu.memory_space<vmem>>, vector<1x16xf32>,
        %slice3A_625 = vector.extract_strided_slice %get3A_38 {offsets = [12], sizes = [1], strides = [1]} : vector<16xi32> to vector<1xi32>
        %squeeze3A_626 = vector.extract %slice3A_625[0] : i32 from vector<1xi32>
        %multiple_of3A_627 = tpu.assume_multiple %squeeze3A_626, 32 : i32
        %slice3A_628 = vector.extract_strided_slice %get3A_46 {offsets = [12], sizes = [1], strides = [1]} : vector<16xi32> to vector<1xi32>
        %squeeze3A_629 = vector.extract %slice3A_628[0] : i32 from vector<1xi32>
        %multiple_of3A_630 = tpu.assume_multiple %squeeze3A_629, 32 : i32
        %add3A_631 = arith.constant 12 : i32
        %add3A_632 = arith.addi %mul3A_36, %add3A_631 : i32
        %add3A_633 = arith.constant 0 : i32
        %add3A_634 = arith.addi %multiple_of3A_627, %add3A_633 : i32
        %multiple_of3A_635 = tpu.assume_multiple %add3A_634, 16 : i32
        %get3A_636 = arith.index_cast %add3A_632 : i32 to index
        %get3A_637 = arith.index_cast %multiple_of3A_635 : i32 to index
        %get3A_638 = tpu.vector_load %arg13[%get3A_636, %get3A_637] {strides = array<i32>} : memref<208x128xf32, #tpu.memory_space<vmem>>, vector<1x16xf32>,
        %get3A_639 = vector.shape_cast %get3A_638 : vector<1x16xf32> to vector<16xf32>
        %add3A_640 = arith.constant 0 : i32
        %add3A_641 = arith.addi %multiple_of3A_630, %add3A_640 : i32
        %multiple_of3A_642 = tpu.assume_multiple %add3A_641, 16 : i32
        %get3A_643 = arith.index_cast %add3A_632 : i32 to index
        %get3A_644 = arith.index_cast %multiple_of3A_642 : i32 to index
        %get3A_645 = tpu.vector_load %arg14[%get3A_643, %get3A_644] {strides = array<i32>} : memref<208x128xf32, #tpu.memory_space<vmem>>, vector<1x16xf32>,
        %get3A_646 = vector.shape_cast %get3A_645 : vector<1x16xf32> to vector<16xf32>
        %mul3A_647 = arith.mulf %get3A_639, %get3A_646 : vector<16xf32>
        %swap3A_648 = arith.index_cast %scan3A_34 : i32 to index
        %swap3A_649 = arith.constant 384 : index
        %swap3A_650 = tpu.vector_load %arg15[%swap3A_648, %swap3A_649] {strides = array<i32>} : memref<8x832xf32, #tpu.memory_space<vmem>>, vector<1x16xf32>,
        %swap3A_651 = vector.shape_cast %swap3A_650 : vector<1x16xf32> to vector<16xf32>
        %swap3A_652 = vector.shape_cast %mul3A_647 : vector<16xf32> to vector<1x16xf32>
        tpu.vector_store %arg15[%swap3A_648, %swap3A_649], %swap3A_652 {strides = array<i32>} : memref<8x832xf32, #tpu.memory_space<vmem>>, vector<1x16xf32>,
        %add3A_653 = arith.constant 16 : i32
        %add3A_654 = arith.addi %multiple_of3A_627, %add3A_653 : i32
        %multiple_of3A_655 = tpu.assume_multiple %add3A_654, 16 : i32
        %get3A_656 = arith.index_cast %add3A_632 : i32 to index
        %get3A_657 = arith.index_cast %multiple_of3A_655 : i32 to index
        %get3A_658 = tpu.vector_load %arg13[%get3A_656, %get3A_657] {strides = array<i32>} : memref<208x128xf32, #tpu.memory_space<vmem>>, vector<1x16xf32>,
        %get3A_659 = vector.shape_cast %get3A_658 : vector<1x16xf32> to vector<16xf32>
        %add3A_660 = arith.constant 16 : i32
        %add3A_661 = arith.addi %multiple_of3A_630, %add3A_660 : i32
        %multiple_of3A_662 = tpu.assume_multiple %add3A_661, 16 : i32
        %get3A_663 = arith.index_cast %add3A_632 : i32 to index
        %get3A_664 = arith.index_cast %multiple_of3A_662 : i32 to index
        %get3A_665 = tpu.vector_load %arg14[%get3A_663, %get3A_664] {strides = array<i32>} : memref<208x128xf32, #tpu.memory_space<vmem>>, vector<1x16xf32>,
        %get3A_666 = vector.shape_cast %get3A_665 : vector<1x16xf32> to vector<16xf32>
        %mul3A_667 = arith.mulf %get3A_659, %get3A_666 : vector<16xf32>
        %swap3A_668 = arith.index_cast %scan3A_34 : i32 to index
        %swap3A_669 = arith.constant 400 : index
        %swap3A_670 = tpu.vector_load %arg15[%swap3A_668, %swap3A_669] {strides = array<i32>} : memref<8x832xf32, #tpu.memory_space<vmem>>, vector<1x16xf32>,
        %swap3A_671 = vector.shape_cast %swap3A_670 : vector<1x16xf32> to vector<16xf32>
        %swap3A_672 = vector.shape_cast %mul3A_667 : vector<16xf32> to vector<1x16xf32>
        tpu.vector_store %arg15[%swap3A_668, %swap3A_669], %swap3A_672 {strides = array<i32>} : memref<8x832xf32, #tpu.memory_space<vmem>>, vector<1x16xf32>,
        %slice3A_673 = vector.extract_strided_slice %get3A_38 {offsets = [13], sizes = [1], strides = [1]} : vector<16xi32> to vector<1xi32>
        %squeeze3A_674 = vector.extract %slice3A_673[0] : i32 from vector<1xi32>
        %multiple_of3A_675 = tpu.assume_multiple %squeeze3A_674, 32 : i32
        %slice3A_676 = vector.extract_strided_slice %get3A_46 {offsets = [13], sizes = [1], strides = [1]} : vector<16xi32> to vector<1xi32>
        %squeeze3A_677 = vector.extract %slice3A_676[0] : i32 from vector<1xi32>
        %multiple_of3A_678 = tpu.assume_multiple %squeeze3A_677, 32 : i32
        %add3A_679 = arith.constant 13 : i32
        %add3A_680 = arith.addi %mul3A_36, %add3A_679 : i32
        %add3A_681 = arith.constant 0 : i32
        %add3A_682 = arith.addi %multiple_of3A_675, %add3A_681 : i32
        %multiple_of3A_683 = tpu.assume_multiple %add3A_682, 16 : i32
        %get3A_684 = arith.index_cast %add3A_680 : i32 to index
        %get3A_685 = arith.index_cast %multiple_of3A_683 : i32 to index
        %get3A_686 = tpu.vector_load %arg13[%get3A_684, %get3A_685] {strides = array<i32>} : memref<208x128xf32, #tpu.memory_space<vmem>>, vector<1x16xf32>,
        %get3A_687 = vector.shape_cast %get3A_686 : vector<1x16xf32> to vector<16xf32>
        %add3A_688 = arith.constant 0 : i32
        %add3A_689 = arith.addi %multiple_of3A_678, %add3A_688 : i32
        %multiple_of3A_690 = tpu.assume_multiple %add3A_689, 16 : i32
        %get3A_691 = arith.index_cast %add3A_680 : i32 to index
        %get3A_692 = arith.index_cast %multiple_of3A_690 : i32 to index
        %get3A_693 = tpu.vector_load %arg14[%get3A_691, %get3A_692] {strides = array<i32>} : memref<208x128xf32, #tpu.memory_space<vmem>>, vector<1x16xf32>,
        %get3A_694 = vector.shape_cast %get3A_693 : vector<1x16xf32> to vector<16xf32>
        %mul3A_695 = arith.mulf %get3A_687, %get3A_694 : vector<16xf32>
        %swap3A_696 = arith.index_cast %scan3A_34 : i32 to index
        %swap3A_697 = arith.constant 416 : index
        %swap3A_698 = tpu.vector_load %arg15[%swap3A_696, %swap3A_697] {strides = array<i32>} : memref<8x832xf32, #tpu.memory_space<vmem>>, vector<1x16xf32>,
        %swap3A_699 = vector.shape_cast %swap3A_698 : vector<1x16xf32> to vector<16xf32>
        %swap3A_700 = vector.shape_cast %mul3A_695 : vector<16xf32> to vector<1x16xf32>
        tpu.vector_store %arg15[%swap3A_696, %swap3A_697], %swap3A_700 {strides = array<i32>} : memref<8x832xf32, #tpu.memory_space<vmem>>, vector<1x16xf32>,
        %add3A_701 = arith.constant 16 : i32
        %add3A_702 = arith.addi %multiple_of3A_675, %add3A_701 : i32
        %multiple_of3A_703 = tpu.assume_multiple %add3A_702, 16 : i32
        %get3A_704 = arith.index_cast %add3A_680 : i32 to index
        %get3A_705 = arith.index_cast %multiple_of3A_703 : i32 to index
        %get3A_706 = tpu.vector_load %arg13[%get3A_704, %get3A_705] {strides = array<i32>} : memref<208x128xf32, #tpu.memory_space<vmem>>, vector<1x16xf32>,
        %get3A_707 = vector.shape_cast %get3A_706 : vector<1x16xf32> to vector<16xf32>
        %add3A_708 = arith.constant 16 : i32
        %add3A_709 = arith.addi %multiple_of3A_678, %add3A_708 : i32
        %multiple_of3A_710 = tpu.assume_multiple %add3A_709, 16 : i32
        %get3A_711 = arith.index_cast %add3A_680 : i32 to index
        %get3A_712 = arith.index_cast %multiple_of3A_710 : i32 to index
        %get3A_713 = tpu.vector_load %arg14[%get3A_711, %get3A_712] {strides = array<i32>} : memref<208x128xf32, #tpu.memory_space<vmem>>, vector<1x16xf32>,
        %get3A_714 = vector.shape_cast %get3A_713 : vector<1x16xf32> to vector<16xf32>
        %mul3A_715 = arith.mulf %get3A_707, %get3A_714 : vector<16xf32>
        %swap3A_716 = arith.index_cast %scan3A_34 : i32 to index
        %swap3A_717 = arith.constant 432 : index
        %swap3A_718 = tpu.vector_load %arg15[%swap3A_716, %swap3A_717] {strides = array<i32>} : memref<8x832xf32, #tpu.memory_space<vmem>>, vector<1x16xf32>,
        %swap3A_719 = vector.shape_cast %swap3A_718 : vector<1x16xf32> to vector<16xf32>
        %swap3A_720 = vector.shape_cast %mul3A_715 : vector<16xf32> to vector<1x16xf32>
        tpu.vector_store %arg15[%swap3A_716, %swap3A_717], %swap3A_720 {strides = array<i32>} : memref<8x832xf32, #tpu.memory_space<vmem>>, vector<1x16xf32>,
        %slice3A_721 = vector.extract_strided_slice %get3A_38 {offsets = [14], sizes = [1], strides = [1]} : vector<16xi32> to vector<1xi32>
        %squeeze3A_722 = vector.extract %slice3A_721[0] : i32 from vector<1xi32>
        %multiple_of3A_723 = tpu.assume_multiple %squeeze3A_722, 32 : i32
        %slice3A_724 = vector.extract_strided_slice %get3A_46 {offsets = [14], sizes = [1], strides = [1]} : vector<16xi32> to vector<1xi32>
        %squeeze3A_725 = vector.extract %slice3A_724[0] : i32 from vector<1xi32>
        %multiple_of3A_726 = tpu.assume_multiple %squeeze3A_725, 32 : i32
        %add3A_727 = arith.constant 14 : i32
        %add3A_728 = arith.addi %mul3A_36, %add3A_727 : i32
        %add3A_729 = arith.constant 0 : i32
        %add3A_730 = arith.addi %multiple_of3A_723, %add3A_729 : i32
        %multiple_of3A_731 = tpu.assume_multiple %add3A_730, 16 : i32
        %get3A_732 = arith.index_cast %add3A_728 : i32 to index
        %get3A_733 = arith.index_cast %multiple_of3A_731 : i32 to index
        %get3A_734 = tpu.vector_load %arg13[%get3A_732, %get3A_733] {strides = array<i32>} : memref<208x128xf32, #tpu.memory_space<vmem>>, vector<1x16xf32>,
        %get3A_735 = vector.shape_cast %get3A_734 : vector<1x16xf32> to vector<16xf32>
        %add3A_736 = arith.constant 0 : i32
        %add3A_737 = arith.addi %multiple_of3A_726, %add3A_736 : i32
        %multiple_of3A_738 = tpu.assume_multiple %add3A_737, 16 : i32
        %get3A_739 = arith.index_cast %add3A_728 : i32 to index
        %get3A_740 = arith.index_cast %multiple_of3A_738 : i32 to index
        %get3A_741 = tpu.vector_load %arg14[%get3A_739, %get3A_740] {strides = array<i32>} : memref<208x128xf32, #tpu.memory_space<vmem>>, vector<1x16xf32>,
        %get3A_742 = vector.shape_cast %get3A_741 : vector<1x16xf32> to vector<16xf32>
        %mul3A_743 = arith.mulf %get3A_735, %get3A_742 : vector<16xf32>
        %swap3A_744 = arith.index_cast %scan3A_34 : i32 to index
        %swap3A_745 = arith.constant 448 : index
        %swap3A_746 = tpu.vector_load %arg15[%swap3A_744, %swap3A_745] {strides = array<i32>} : memref<8x832xf32, #tpu.memory_space<vmem>>, vector<1x16xf32>,
        %swap3A_747 = vector.shape_cast %swap3A_746 : vector<1x16xf32> to vector<16xf32>
        %swap3A_748 = vector.shape_cast %mul3A_743 : vector<16xf32> to vector<1x16xf32>
        tpu.vector_store %arg15[%swap3A_744, %swap3A_745], %swap3A_748 {strides = array<i32>} : memref<8x832xf32, #tpu.memory_space<vmem>>, vector<1x16xf32>,
        %add3A_749 = arith.constant 16 : i32
        %add3A_750 = arith.addi %multiple_of3A_723, %add3A_749 : i32
        %multiple_of3A_751 = tpu.assume_multiple %add3A_750, 16 : i32
        %get3A_752 = arith.index_cast %add3A_728 : i32 to index
        %get3A_753 = arith.index_cast %multiple_of3A_751 : i32 to index
        %get3A_754 = tpu.vector_load %arg13[%get3A_752, %get3A_753] {strides = array<i32>} : memref<208x128xf32, #tpu.memory_space<vmem>>, vector<1x16xf32>,
        %get3A_755 = vector.shape_cast %get3A_754 : vector<1x16xf32> to vector<16xf32>
        %add3A_756 = arith.constant 16 : i32
        %add3A_757 = arith.addi %multiple_of3A_726, %add3A_756 : i32
        %multiple_of3A_758 = tpu.assume_multiple %add3A_757, 16 : i32
        %get3A_759 = arith.index_cast %add3A_728 : i32 to index
        %get3A_760 = arith.index_cast %multiple_of3A_758 : i32 to index
        %get3A_761 = tpu.vector_load %arg14[%get3A_759, %get3A_760] {strides = array<i32>} : memref<208x128xf32, #tpu.memory_space<vmem>>, vector<1x16xf32>,
        %get3A_762 = vector.shape_cast %get3A_761 : vector<1x16xf32> to vector<16xf32>
        %mul3A_763 = arith.mulf %get3A_755, %get3A_762 : vector<16xf32>
        %swap3A_764 = arith.index_cast %scan3A_34 : i32 to index
        %swap3A_765 = arith.constant 464 : index
        %swap3A_766 = tpu.vector_load %arg15[%swap3A_764, %swap3A_765] {strides = array<i32>} : memref<8x832xf32, #tpu.memory_space<vmem>>, vector<1x16xf32>,
        %swap3A_767 = vector.shape_cast %swap3A_766 : vector<1x16xf32> to vector<16xf32>
        %swap3A_768 = vector.shape_cast %mul3A_763 : vector<16xf32> to vector<1x16xf32>
        tpu.vector_store %arg15[%swap3A_764, %swap3A_765], %swap3A_768 {strides = array<i32>} : memref<8x832xf32, #tpu.memory_space<vmem>>, vector<1x16xf32>,
        %slice3A_769 = vector.extract_strided_slice %get3A_38 {offsets = [15], sizes = [1], strides = [1]} : vector<16xi32> to vector<1xi32>
        %squeeze3A_770 = vector.extract %slice3A_769[0] : i32 from vector<1xi32>
        %multiple_of3A_771 = tpu.assume_multiple %squeeze3A_770, 32 : i32
        %slice3A_772 = vector.extract_strided_slice %get3A_46 {offsets = [15], sizes = [1], strides = [1]} : vector<16xi32> to vector<1xi32>
        %squeeze3A_773 = vector.extract %slice3A_772[0] : i32 from vector<1xi32>
        %multiple_of3A_774 = tpu.assume_multiple %squeeze3A_773, 32 : i32
        %add3A_775 = arith.constant 15 : i32
        %add3A_776 = arith.addi %mul3A_36, %add3A_775 : i32
        %add3A_777 = arith.constant 0 : i32
        %add3A_778 = arith.addi %multiple_of3A_771, %add3A_777 : i32
        %multiple_of3A_779 = tpu.assume_multiple %add3A_778, 16 : i32
        %get3A_780 = arith.index_cast %add3A_776 : i32 to index
        %get3A_781 = arith.index_cast %multiple_of3A_779 : i32 to index
        %get3A_782 = tpu.vector_load %arg13[%get3A_780, %get3A_781] {strides = array<i32>} : memref<208x128xf32, #tpu.memory_space<vmem>>, vector<1x16xf32>,
        %get3A_783 = vector.shape_cast %get3A_782 : vector<1x16xf32> to vector<16xf32>
        %add3A_784 = arith.constant 0 : i32
        %add3A_785 = arith.addi %multiple_of3A_774, %add3A_784 : i32
        %multiple_of3A_786 = tpu.assume_multiple %add3A_785, 16 : i32
        %get3A_787 = arith.index_cast %add3A_776 : i32 to index
        %get3A_788 = arith.index_cast %multiple_of3A_786 : i32 to index
        %get3A_789 = tpu.vector_load %arg14[%get3A_787, %get3A_788] {strides = array<i32>} : memref<208x128xf32, #tpu.memory_space<vmem>>, vector<1x16xf32>,
        %get3A_790 = vector.shape_cast %get3A_789 : vector<1x16xf32> to vector<16xf32>
        %mul3A_791 = arith.mulf %get3A_783, %get3A_790 : vector<16xf32>
        %swap3A_792 = arith.index_cast %scan3A_34 : i32 to index
        %swap3A_793 = arith.constant 480 : index
        %swap3A_794 = tpu.vector_load %arg15[%swap3A_792, %swap3A_793] {strides = array<i32>} : memref<8x832xf32, #tpu.memory_space<vmem>>, vector<1x16xf32>,
        %swap3A_795 = vector.shape_cast %swap3A_794 : vector<1x16xf32> to vector<16xf32>
        %swap3A_796 = vector.shape_cast %mul3A_791 : vector<16xf32> to vector<1x16xf32>
        tpu.vector_store %arg15[%swap3A_792, %swap3A_793], %swap3A_796 {strides = array<i32>} : memref<8x832xf32, #tpu.memory_space<vmem>>, vector<1x16xf32>,
        %add3A_797 = arith.constant 16 : i32
        %add3A_798 = arith.addi %multiple_of3A_771, %add3A_797 : i32
        %multiple_of3A_799 = tpu.assume_multiple %add3A_798, 16 : i32
        %get3A_800 = arith.index_cast %add3A_776 : i32 to index
        %get3A_801 = arith.index_cast %multiple_of3A_799 : i32 to index
        %get3A_802 = tpu.vector_load %arg13[%get3A_800, %get3A_801] {strides = array<i32>} : memref<208x128xf32, #tpu.memory_space<vmem>>, vector<1x16xf32>,
        %get3A_803 = vector.shape_cast %get3A_802 : vector<1x16xf32> to vector<16xf32>
        %add3A_804 = arith.constant 16 : i32
        %add3A_805 = arith.addi %multiple_of3A_774, %add3A_804 : i32
        %multiple_of3A_806 = tpu.assume_multiple %add3A_805, 16 : i32
        %get3A_807 = arith.index_cast %add3A_776 : i32 to index
        %get3A_808 = arith.index_cast %multiple_of3A_806 : i32 to index
        %get3A_809 = tpu.vector_load %arg14[%get3A_807, %get3A_808] {strides = array<i32>} : memref<208x128xf32, #tpu.memory_space<vmem>>, vector<1x16xf32>,
        %get3A_810 = vector.shape_cast %get3A_809 : vector<1x16xf32> to vector<16xf32>
        %mul3A_811 = arith.mulf %get3A_803, %get3A_810 : vector<16xf32>
        %swap3A_812 = arith.index_cast %scan3A_34 : i32 to index
        %swap3A_813 = arith.constant 496 : index
        %swap3A_814 = tpu.vector_load %arg15[%swap3A_812, %swap3A_813] {strides = array<i32>} : memref<8x832xf32, #tpu.memory_space<vmem>>, vector<1x16xf32>,
        %swap3A_815 = vector.shape_cast %swap3A_814 : vector<1x16xf32> to vector<16xf32>
        %swap3A_816 = vector.shape_cast %mul3A_811 : vector<16xf32> to vector<1x16xf32>
        tpu.vector_store %arg15[%swap3A_812, %swap3A_813], %swap3A_816 {strides = array<i32>} : memref<8x832xf32, #tpu.memory_space<vmem>>, vector<1x16xf32>,
        %slice3A_817 = vector.extract_strided_slice %get3A_43 {offsets = [0], sizes = [1], strides = [1]} : vector<16xi32> to vector<1xi32>
        %squeeze3A_818 = vector.extract %slice3A_817[0] : i32 from vector<1xi32>
        %multiple_of3A_819 = tpu.assume_multiple %squeeze3A_818, 32 : i32
        %slice3A_820 = vector.extract_strided_slice %get3A_51 {offsets = [0], sizes = [1], strides = [1]} : vector<16xi32> to vector<1xi32>
        %squeeze3A_821 = vector.extract %slice3A_820[0] : i32 from vector<1xi32>
        %multiple_of3A_822 = tpu.assume_multiple %squeeze3A_821, 32 : i32
        %add3A_823 = arith.constant 16 : i32
        %add3A_824 = arith.addi %mul3A_36, %add3A_823 : i32
        %add3A_825 = arith.constant 0 : i32
        %add3A_826 = arith.addi %multiple_of3A_819, %add3A_825 : i32
        %multiple_of3A_827 = tpu.assume_multiple %add3A_826, 16 : i32
        %get3A_828 = arith.index_cast %add3A_824 : i32 to index
        %get3A_829 = arith.index_cast %multiple_of3A_827 : i32 to index
        %get3A_830 = tpu.vector_load %arg13[%get3A_828, %get3A_829] {strides = array<i32>} : memref<208x128xf32, #tpu.memory_space<vmem>>, vector<1x16xf32>,
        %get3A_831 = vector.shape_cast %get3A_830 : vector<1x16xf32> to vector<16xf32>
        %add3A_832 = arith.constant 0 : i32
        %add3A_833 = arith.addi %multiple_of3A_822, %add3A_832 : i32
        %multiple_of3A_834 = tpu.assume_multiple %add3A_833, 16 : i32
        %get3A_835 = arith.index_cast %add3A_824 : i32 to index
        %get3A_836 = arith.index_cast %multiple_of3A_834 : i32 to index
        %get3A_837 = tpu.vector_load %arg14[%get3A_835, %get3A_836] {strides = array<i32>} : memref<208x128xf32, #tpu.memory_space<vmem>>, vector<1x16xf32>,
        %get3A_838 = vector.shape_cast %get3A_837 : vector<1x16xf32> to vector<16xf32>
        %mul3A_839 = arith.mulf %get3A_831, %get3A_838 : vector<16xf32>
        %swap3A_840 = arith.index_cast %scan3A_34 : i32 to index
        %swap3A_841 = arith.constant 512 : index
        %swap3A_842 = tpu.vector_load %arg15[%swap3A_840, %swap3A_841] {strides = array<i32>} : memref<8x832xf32, #tpu.memory_space<vmem>>, vector<1x16xf32>,
        %swap3A_843 = vector.shape_cast %swap3A_842 : vector<1x16xf32> to vector<16xf32>
        %swap3A_844 = vector.shape_cast %mul3A_839 : vector<16xf32> to vector<1x16xf32>
        tpu.vector_store %arg15[%swap3A_840, %swap3A_841], %swap3A_844 {strides = array<i32>} : memref<8x832xf32, #tpu.memory_space<vmem>>, vector<1x16xf32>,
        %add3A_845 = arith.constant 16 : i32
        %add3A_846 = arith.addi %multiple_of3A_819, %add3A_845 : i32
        %multiple_of3A_847 = tpu.assume_multiple %add3A_846, 16 : i32
        %get3A_848 = arith.index_cast %add3A_824 : i32 to index
        %get3A_849 = arith.index_cast %multiple_of3A_847 : i32 to index
        %get3A_850 = tpu.vector_load %arg13[%get3A_848, %get3A_849] {strides = array<i32>} : memref<208x128xf32, #tpu.memory_space<vmem>>, vector<1x16xf32>,
        %get3A_851 = vector.shape_cast %get3A_850 : vector<1x16xf32> to vector<16xf32>
        %add3A_852 = arith.constant 16 : i32
        %add3A_853 = arith.addi %multiple_of3A_822, %add3A_852 : i32
        %multiple_of3A_854 = tpu.assume_multiple %add3A_853, 16 : i32
        %get3A_855 = arith.index_cast %add3A_824 : i32 to index
        %get3A_856 = arith.index_cast %multiple_of3A_854 : i32 to index
        %get3A_857 = tpu.vector_load %arg14[%get3A_855, %get3A_856] {strides = array<i32>} : memref<208x128xf32, #tpu.memory_space<vmem>>, vector<1x16xf32>,
        %get3A_858 = vector.shape_cast %get3A_857 : vector<1x16xf32> to vector<16xf32>
        %mul3A_859 = arith.mulf %get3A_851, %get3A_858 : vector<16xf32>
        %swap3A_860 = arith.index_cast %scan3A_34 : i32 to index
        %swap3A_861 = arith.constant 528 : index
        %swap3A_862 = tpu.vector_load %arg15[%swap3A_860, %swap3A_861] {strides = array<i32>} : memref<8x832xf32, #tpu.memory_space<vmem>>, vector<1x16xf32>,
        %swap3A_863 = vector.shape_cast %swap3A_862 : vector<1x16xf32> to vector<16xf32>
        %swap3A_864 = vector.shape_cast %mul3A_859 : vector<16xf32> to vector<1x16xf32>
        tpu.vector_store %arg15[%swap3A_860, %swap3A_861], %swap3A_864 {strides = array<i32>} : memref<8x832xf32, #tpu.memory_space<vmem>>, vector<1x16xf32>,
        %slice3A_865 = vector.extract_strided_slice %get3A_43 {offsets = [1], sizes = [1], strides = [1]} : vector<16xi32> to vector<1xi32>
        %squeeze3A_866 = vector.extract %slice3A_865[0] : i32 from vector<1xi32>
        %multiple_of3A_867 = tpu.assume_multiple %squeeze3A_866, 32 : i32
        %slice3A_868 = vector.extract_strided_slice %get3A_51 {offsets = [1], sizes = [1], strides = [1]} : vector<16xi32> to vector<1xi32>
        %squeeze3A_869 = vector.extract %slice3A_868[0] : i32 from vector<1xi32>
        %multiple_of3A_870 = tpu.assume_multiple %squeeze3A_869, 32 : i32
        %add3A_871 = arith.constant 17 : i32
        %add3A_872 = arith.addi %mul3A_36, %add3A_871 : i32
        %add3A_873 = arith.constant 0 : i32
        %add3A_874 = arith.addi %multiple_of3A_867, %add3A_873 : i32
        %multiple_of3A_875 = tpu.assume_multiple %add3A_874, 16 : i32
        %get3A_876 = arith.index_cast %add3A_872 : i32 to index
        %get3A_877 = arith.index_cast %multiple_of3A_875 : i32 to index
        %get3A_878 = tpu.vector_load %arg13[%get3A_876, %get3A_877] {strides = array<i32>} : memref<208x128xf32, #tpu.memory_space<vmem>>, vector<1x16xf32>,
        %get3A_879 = vector.shape_cast %get3A_878 : vector<1x16xf32> to vector<16xf32>
        %add3A_880 = arith.constant 0 : i32
        %add3A_881 = arith.addi %multiple_of3A_870, %add3A_880 : i32
        %multiple_of3A_882 = tpu.assume_multiple %add3A_881, 16 : i32
        %get3A_883 = arith.index_cast %add3A_872 : i32 to index
        %get3A_884 = arith.index_cast %multiple_of3A_882 : i32 to index
        %get3A_885 = tpu.vector_load %arg14[%get3A_883, %get3A_884] {strides = array<i32>} : memref<208x128xf32, #tpu.memory_space<vmem>>, vector<1x16xf32>,
        %get3A_886 = vector.shape_cast %get3A_885 : vector<1x16xf32> to vector<16xf32>
        %mul3A_887 = arith.mulf %get3A_879, %get3A_886 : vector<16xf32>
        %swap3A_888 = arith.index_cast %scan3A_34 : i32 to index
        %swap3A_889 = arith.constant 544 : index
        %swap3A_890 = tpu.vector_load %arg15[%swap3A_888, %swap3A_889] {strides = array<i32>} : memref<8x832xf32, #tpu.memory_space<vmem>>, vector<1x16xf32>,
        %swap3A_891 = vector.shape_cast %swap3A_890 : vector<1x16xf32> to vector<16xf32>
        %swap3A_892 = vector.shape_cast %mul3A_887 : vector<16xf32> to vector<1x16xf32>
        tpu.vector_store %arg15[%swap3A_888, %swap3A_889], %swap3A_892 {strides = array<i32>} : memref<8x832xf32, #tpu.memory_space<vmem>>, vector<1x16xf32>,
        %add3A_893 = arith.constant 16 : i32
        %add3A_894 = arith.addi %multiple_of3A_867, %add3A_893 : i32
        %multiple_of3A_895 = tpu.assume_multiple %add3A_894, 16 : i32
        %get3A_896 = arith.index_cast %add3A_872 : i32 to index
        %get3A_897 = arith.index_cast %multiple_of3A_895 : i32 to index
        %get3A_898 = tpu.vector_load %arg13[%get3A_896, %get3A_897] {strides = array<i32>} : memref<208x128xf32, #tpu.memory_space<vmem>>, vector<1x16xf32>,
        %get3A_899 = vector.shape_cast %get3A_898 : vector<1x16xf32> to vector<16xf32>
        %add3A_900 = arith.constant 16 : i32
        %add3A_901 = arith.addi %multiple_of3A_870, %add3A_900 : i32
        %multiple_of3A_902 = tpu.assume_multiple %add3A_901, 16 : i32
        %get3A_903 = arith.index_cast %add3A_872 : i32 to index
        %get3A_904 = arith.index_cast %multiple_of3A_902 : i32 to index
        %get3A_905 = tpu.vector_load %arg14[%get3A_903, %get3A_904] {strides = array<i32>} : memref<208x128xf32, #tpu.memory_space<vmem>>, vector<1x16xf32>,
        %get3A_906 = vector.shape_cast %get3A_905 : vector<1x16xf32> to vector<16xf32>
        %mul3A_907 = arith.mulf %get3A_899, %get3A_906 : vector<16xf32>
        %swap3A_908 = arith.index_cast %scan3A_34 : i32 to index
        %swap3A_909 = arith.constant 560 : index
        %swap3A_910 = tpu.vector_load %arg15[%swap3A_908, %swap3A_909] {strides = array<i32>} : memref<8x832xf32, #tpu.memory_space<vmem>>, vector<1x16xf32>,
        %swap3A_911 = vector.shape_cast %swap3A_910 : vector<1x16xf32> to vector<16xf32>
        %swap3A_912 = vector.shape_cast %mul3A_907 : vector<16xf32> to vector<1x16xf32>
        tpu.vector_store %arg15[%swap3A_908, %swap3A_909], %swap3A_912 {strides = array<i32>} : memref<8x832xf32, #tpu.memory_space<vmem>>, vector<1x16xf32>,
        %slice3A_913 = vector.extract_strided_slice %get3A_43 {offsets = [2], sizes = [1], strides = [1]} : vector<16xi32> to vector<1xi32>
        %squeeze3A_914 = vector.extract %slice3A_913[0] : i32 from vector<1xi32>
        %multiple_of3A_915 = tpu.assume_multiple %squeeze3A_914, 32 : i32
        %slice3A_916 = vector.extract_strided_slice %get3A_51 {offsets = [2], sizes = [1], strides = [1]} : vector<16xi32> to vector<1xi32>
        %squeeze3A_917 = vector.extract %slice3A_916[0] : i32 from vector<1xi32>
        %multiple_of3A_918 = tpu.assume_multiple %squeeze3A_917, 32 : i32
        %add3A_919 = arith.constant 18 : i32
        %add3A_920 = arith.addi %mul3A_36, %add3A_919 : i32
        %add3A_921 = arith.constant 0 : i32
        %add3A_922 = arith.addi %multiple_of3A_915, %add3A_921 : i32
        %multiple_of3A_923 = tpu.assume_multiple %add3A_922, 16 : i32
        %get3A_924 = arith.index_cast %add3A_920 : i32 to index
        %get3A_925 = arith.index_cast %multiple_of3A_923 : i32 to index
        %get3A_926 = tpu.vector_load %arg13[%get3A_924, %get3A_925] {strides = array<i32>} : memref<208x128xf32, #tpu.memory_space<vmem>>, vector<1x16xf32>,
        %get3A_927 = vector.shape_cast %get3A_926 : vector<1x16xf32> to vector<16xf32>
        %add3A_928 = arith.constant 0 : i32
        %add3A_929 = arith.addi %multiple_of3A_918, %add3A_928 : i32
        %multiple_of3A_930 = tpu.assume_multiple %add3A_929, 16 : i32
        %get3A_931 = arith.index_cast %add3A_920 : i32 to index
        %get3A_932 = arith.index_cast %multiple_of3A_930 : i32 to index
        %get3A_933 = tpu.vector_load %arg14[%get3A_931, %get3A_932] {strides = array<i32>} : memref<208x128xf32, #tpu.memory_space<vmem>>, vector<1x16xf32>,
        %get3A_934 = vector.shape_cast %get3A_933 : vector<1x16xf32> to vector<16xf32>
        %mul3A_935 = arith.mulf %get3A_927, %get3A_934 : vector<16xf32>
        %swap3A_936 = arith.index_cast %scan3A_34 : i32 to index
        %swap3A_937 = arith.constant 576 : index
        %swap3A_938 = tpu.vector_load %arg15[%swap3A_936, %swap3A_937] {strides = array<i32>} : memref<8x832xf32, #tpu.memory_space<vmem>>, vector<1x16xf32>,
        %swap3A_939 = vector.shape_cast %swap3A_938 : vector<1x16xf32> to vector<16xf32>
        %swap3A_940 = vector.shape_cast %mul3A_935 : vector<16xf32> to vector<1x16xf32>
        tpu.vector_store %arg15[%swap3A_936, %swap3A_937], %swap3A_940 {strides = array<i32>} : memref<8x832xf32, #tpu.memory_space<vmem>>, vector<1x16xf32>,
        %add3A_941 = arith.constant 16 : i32
        %add3A_942 = arith.addi %multiple_of3A_915, %add3A_941 : i32
        %multiple_of3A_943 = tpu.assume_multiple %add3A_942, 16 : i32
        %get3A_944 = arith.index_cast %add3A_920 : i32 to index
        %get3A_945 = arith.index_cast %multiple_of3A_943 : i32 to index
        %get3A_946 = tpu.vector_load %arg13[%get3A_944, %get3A_945] {strides = array<i32>} : memref<208x128xf32, #tpu.memory_space<vmem>>, vector<1x16xf32>,
        %get3A_947 = vector.shape_cast %get3A_946 : vector<1x16xf32> to vector<16xf32>
        %add3A_948 = arith.constant 16 : i32
        %add3A_949 = arith.addi %multiple_of3A_918, %add3A_948 : i32
        %multiple_of3A_950 = tpu.assume_multiple %add3A_949, 16 : i32
        %get3A_951 = arith.index_cast %add3A_920 : i32 to index
        %get3A_952 = arith.index_cast %multiple_of3A_950 : i32 to index
        %get3A_953 = tpu.vector_load %arg14[%get3A_951, %get3A_952] {strides = array<i32>} : memref<208x128xf32, #tpu.memory_space<vmem>>, vector<1x16xf32>,
        %get3A_954 = vector.shape_cast %get3A_953 : vector<1x16xf32> to vector<16xf32>
        %mul3A_955 = arith.mulf %get3A_947, %get3A_954 : vector<16xf32>
        %swap3A_956 = arith.index_cast %scan3A_34 : i32 to index
        %swap3A_957 = arith.constant 592 : index
        %swap3A_958 = tpu.vector_load %arg15[%swap3A_956, %swap3A_957] {strides = array<i32>} : memref<8x832xf32, #tpu.memory_space<vmem>>, vector<1x16xf32>,
        %swap3A_959 = vector.shape_cast %swap3A_958 : vector<1x16xf32> to vector<16xf32>
        %swap3A_960 = vector.shape_cast %mul3A_955 : vector<16xf32> to vector<1x16xf32>
        tpu.vector_store %arg15[%swap3A_956, %swap3A_957], %swap3A_960 {strides = array<i32>} : memref<8x832xf32, #tpu.memory_space<vmem>>, vector<1x16xf32>,
        %slice3A_961 = vector.extract_strided_slice %get3A_43 {offsets = [3], sizes = [1], strides = [1]} : vector<16xi32> to vector<1xi32>
        %squeeze3A_962 = vector.extract %slice3A_961[0] : i32 from vector<1xi32>
        %multiple_of3A_963 = tpu.assume_multiple %squeeze3A_962, 32 : i32
        %slice3A_964 = vector.extract_strided_slice %get3A_51 {offsets = [3], sizes = [1], strides = [1]} : vector<16xi32> to vector<1xi32>
        %squeeze3A_965 = vector.extract %slice3A_964[0] : i32 from vector<1xi32>
        %multiple_of3A_966 = tpu.assume_multiple %squeeze3A_965, 32 : i32
        %add3A_967 = arith.constant 19 : i32
        %add3A_968 = arith.addi %mul3A_36, %add3A_967 : i32
        %add3A_969 = arith.constant 0 : i32
        %add3A_970 = arith.addi %multiple_of3A_963, %add3A_969 : i32
        %multiple_of3A_971 = tpu.assume_multiple %add3A_970, 16 : i32
        %get3A_972 = arith.index_cast %add3A_968 : i32 to index
        %get3A_973 = arith.index_cast %multiple_of3A_971 : i32 to index
        %get3A_974 = tpu.vector_load %arg13[%get3A_972, %get3A_973] {strides = array<i32>} : memref<208x128xf32, #tpu.memory_space<vmem>>, vector<1x16xf32>,
        %get3A_975 = vector.shape_cast %get3A_974 : vector<1x16xf32> to vector<16xf32>
        %add3A_976 = arith.constant 0 : i32
        %add3A_977 = arith.addi %multiple_of3A_966, %add3A_976 : i32
        %multiple_of3A_978 = tpu.assume_multiple %add3A_977, 16 : i32
        %get3A_979 = arith.index_cast %add3A_968 : i32 to index
        %get3A_980 = arith.index_cast %multiple_of3A_978 : i32 to index
        %get3A_981 = tpu.vector_load %arg14[%get3A_979, %get3A_980] {strides = array<i32>} : memref<208x128xf32, #tpu.memory_space<vmem>>, vector<1x16xf32>,
        %get3A_982 = vector.shape_cast %get3A_981 : vector<1x16xf32> to vector<16xf32>
        %mul3A_983 = arith.mulf %get3A_975, %get3A_982 : vector<16xf32>
        %swap3A_984 = arith.index_cast %scan3A_34 : i32 to index
        %swap3A_985 = arith.constant 608 : index
        %swap3A_986 = tpu.vector_load %arg15[%swap3A_984, %swap3A_985] {strides = array<i32>} : memref<8x832xf32, #tpu.memory_space<vmem>>, vector<1x16xf32>,
        %swap3A_987 = vector.shape_cast %swap3A_986 : vector<1x16xf32> to vector<16xf32>
        %swap3A_988 = vector.shape_cast %mul3A_983 : vector<16xf32> to vector<1x16xf32>
        tpu.vector_store %arg15[%swap3A_984, %swap3A_985], %swap3A_988 {strides = array<i32>} : memref<8x832xf32, #tpu.memory_space<vmem>>, vector<1x16xf32>,
        %add3A_989 = arith.constant 16 : i32
        %add3A_990 = arith.addi %multiple_of3A_963, %add3A_989 : i32
        %multiple_of3A_991 = tpu.assume_multiple %add3A_990, 16 : i32
        %get3A_992 = arith.index_cast %add3A_968 : i32 to index
        %get3A_993 = arith.index_cast %multiple_of3A_991 : i32 to index
        %get3A_994 = tpu.vector_load %arg13[%get3A_992, %get3A_993] {strides = array<i32>} : memref<208x128xf32, #tpu.memory_space<vmem>>, vector<1x16xf32>,
        %get3A_995 = vector.shape_cast %get3A_994 : vector<1x16xf32> to vector<16xf32>
        %add3A_996 = arith.constant 16 : i32
        %add3A_997 = arith.addi %multiple_of3A_966, %add3A_996 : i32
        %multiple_of3A_998 = tpu.assume_multiple %add3A_997, 16 : i32
        %get3A_999 = arith.index_cast %add3A_968 : i32 to index
        %get3A_1000 = arith.index_cast %multiple_of3A_998 : i32 to index
        %get3A_1001 = tpu.vector_load %arg14[%get3A_999, %get3A_1000] {strides = array<i32>} : memref<208x128xf32, #tpu.memory_space<vmem>>, vector<1x16xf32>,
        %get3A_1002 = vector.shape_cast %get3A_1001 : vector<1x16xf32> to vector<16xf32>
        %mul3A_1003 = arith.mulf %get3A_995, %get3A_1002 : vector<16xf32>
        %swap3A_1004 = arith.index_cast %scan3A_34 : i32 to index
        %swap3A_1005 = arith.constant 624 : index
        %swap3A_1006 = tpu.vector_load %arg15[%swap3A_1004, %swap3A_1005] {strides = array<i32>} : memref<8x832xf32, #tpu.memory_space<vmem>>, vector<1x16xf32>,
        %swap3A_1007 = vector.shape_cast %swap3A_1006 : vector<1x16xf32> to vector<16xf32>
        %swap3A_1008 = vector.shape_cast %mul3A_1003 : vector<16xf32> to vector<1x16xf32>
        tpu.vector_store %arg15[%swap3A_1004, %swap3A_1005], %swap3A_1008 {strides = array<i32>} : memref<8x832xf32, #tpu.memory_space<vmem>>, vector<1x16xf32>,
        %slice3A_1009 = vector.extract_strided_slice %get3A_43 {offsets = [4], sizes = [1], strides = [1]} : vector<16xi32> to vector<1xi32>
        %squeeze3A_1010 = vector.extract %slice3A_1009[0] : i32 from vector<1xi32>
        %multiple_of3A_1011 = tpu.assume_multiple %squeeze3A_1010, 32 : i32
        %slice3A_1012 = vector.extract_strided_slice %get3A_51 {offsets = [4], sizes = [1], strides = [1]} : vector<16xi32> to vector<1xi32>
        %squeeze3A_1013 = vector.extract %slice3A_1012[0] : i32 from vector<1xi32>
        %multiple_of3A_1014 = tpu.assume_multiple %squeeze3A_1013, 32 : i32
        %add3A_1015 = arith.constant 20 : i32
        %add3A_1016 = arith.addi %mul3A_36, %add3A_1015 : i32
        %add3A_1017 = arith.constant 0 : i32
        %add3A_1018 = arith.addi %multiple_of3A_1011, %add3A_1017 : i32
        %multiple_of3A_1019 = tpu.assume_multiple %add3A_1018, 16 : i32
        %get3A_1020 = arith.index_cast %add3A_1016 : i32 to index
        %get3A_1021 = arith.index_cast %multiple_of3A_1019 : i32 to index
        %get3A_1022 = tpu.vector_load %arg13[%get3A_1020, %get3A_1021] {strides = array<i32>} : memref<208x128xf32, #tpu.memory_space<vmem>>, vector<1x16xf32>,
        %get3A_1023 = vector.shape_cast %get3A_1022 : vector<1x16xf32> to vector<16xf32>
        %add3A_1024 = arith.constant 0 : i32
        %add3A_1025 = arith.addi %multiple_of3A_1014, %add3A_1024 : i32
        %multiple_of3A_1026 = tpu.assume_multiple %add3A_1025, 16 : i32
        %get3A_1027 = arith.index_cast %add3A_1016 : i32 to index
        %get3A_1028 = arith.index_cast %multiple_of3A_1026 : i32 to index
        %get3A_1029 = tpu.vector_load %arg14[%get3A_1027, %get3A_1028] {strides = array<i32>} : memref<208x128xf32, #tpu.memory_space<vmem>>, vector<1x16xf32>,
        %get3A_1030 = vector.shape_cast %get3A_1029 : vector<1x16xf32> to vector<16xf32>
        %mul3A_1031 = arith.mulf %get3A_1023, %get3A_1030 : vector<16xf32>
        %swap3A_1032 = arith.index_cast %scan3A_34 : i32 to index
        %swap3A_1033 = arith.constant 640 : index
        %swap3A_1034 = tpu.vector_load %arg15[%swap3A_1032, %swap3A_1033] {strides = array<i32>} : memref<8x832xf32, #tpu.memory_space<vmem>>, vector<1x16xf32>,
        %swap3A_1035 = vector.shape_cast %swap3A_1034 : vector<1x16xf32> to vector<16xf32>
        %swap3A_1036 = vector.shape_cast %mul3A_1031 : vector<16xf32> to vector<1x16xf32>
        tpu.vector_store %arg15[%swap3A_1032, %swap3A_1033], %swap3A_1036 {strides = array<i32>} : memref<8x832xf32, #tpu.memory_space<vmem>>, vector<1x16xf32>,
        %add3A_1037 = arith.constant 16 : i32
        %add3A_1038 = arith.addi %multiple_of3A_1011, %add3A_1037 : i32
        %multiple_of3A_1039 = tpu.assume_multiple %add3A_1038, 16 : i32
        %get3A_1040 = arith.index_cast %add3A_1016 : i32 to index
        %get3A_1041 = arith.index_cast %multiple_of3A_1039 : i32 to index
        %get3A_1042 = tpu.vector_load %arg13[%get3A_1040, %get3A_1041] {strides = array<i32>} : memref<208x128xf32, #tpu.memory_space<vmem>>, vector<1x16xf32>,
        %get3A_1043 = vector.shape_cast %get3A_1042 : vector<1x16xf32> to vector<16xf32>
        %add3A_1044 = arith.constant 16 : i32
        %add3A_1045 = arith.addi %multiple_of3A_1014, %add3A_1044 : i32
        %multiple_of3A_1046 = tpu.assume_multiple %add3A_1045, 16 : i32
        %get3A_1047 = arith.index_cast %add3A_1016 : i32 to index
        %get3A_1048 = arith.index_cast %multiple_of3A_1046 : i32 to index
        %get3A_1049 = tpu.vector_load %arg14[%get3A_1047, %get3A_1048] {strides = array<i32>} : memref<208x128xf32, #tpu.memory_space<vmem>>, vector<1x16xf32>,
        %get3A_1050 = vector.shape_cast %get3A_1049 : vector<1x16xf32> to vector<16xf32>
        %mul3A_1051 = arith.mulf %get3A_1043, %get3A_1050 : vector<16xf32>
        %swap3A_1052 = arith.index_cast %scan3A_34 : i32 to index
        %swap3A_1053 = arith.constant 656 : index
        %swap3A_1054 = tpu.vector_load %arg15[%swap3A_1052, %swap3A_1053] {strides = array<i32>} : memref<8x832xf32, #tpu.memory_space<vmem>>, vector<1x16xf32>,
        %swap3A_1055 = vector.shape_cast %swap3A_1054 : vector<1x16xf32> to vector<16xf32>
        %swap3A_1056 = vector.shape_cast %mul3A_1051 : vector<16xf32> to vector<1x16xf32>
        tpu.vector_store %arg15[%swap3A_1052, %swap3A_1053], %swap3A_1056 {strides = array<i32>} : memref<8x832xf32, #tpu.memory_space<vmem>>, vector<1x16xf32>,
        %slice3A_1057 = vector.extract_strided_slice %get3A_43 {offsets = [5], sizes = [1], strides = [1]} : vector<16xi32> to vector<1xi32>
        %squeeze3A_1058 = vector.extract %slice3A_1057[0] : i32 from vector<1xi32>
        %multiple_of3A_1059 = tpu.assume_multiple %squeeze3A_1058, 32 : i32
        %slice3A_1060 = vector.extract_strided_slice %get3A_51 {offsets = [5], sizes = [1], strides = [1]} : vector<16xi32> to vector<1xi32>
        %squeeze3A_1061 = vector.extract %slice3A_1060[0] : i32 from vector<1xi32>
        %multiple_of3A_1062 = tpu.assume_multiple %squeeze3A_1061, 32 : i32
        %add3A_1063 = arith.constant 21 : i32
        %add3A_1064 = arith.addi %mul3A_36, %add3A_1063 : i32
        %add3A_1065 = arith.constant 0 : i32
        %add3A_1066 = arith.addi %multiple_of3A_1059, %add3A_1065 : i32
        %multiple_of3A_1067 = tpu.assume_multiple %add3A_1066, 16 : i32
        %get3A_1068 = arith.index_cast %add3A_1064 : i32 to index
        %get3A_1069 = arith.index_cast %multiple_of3A_1067 : i32 to index
        %get3A_1070 = tpu.vector_load %arg13[%get3A_1068, %get3A_1069] {strides = array<i32>} : memref<208x128xf32, #tpu.memory_space<vmem>>, vector<1x16xf32>,
        %get3A_1071 = vector.shape_cast %get3A_1070 : vector<1x16xf32> to vector<16xf32>
        %add3A_1072 = arith.constant 0 : i32
        %add3A_1073 = arith.addi %multiple_of3A_1062, %add3A_1072 : i32
        %multiple_of3A_1074 = tpu.assume_multiple %add3A_1073, 16 : i32
        %get3A_1075 = arith.index_cast %add3A_1064 : i32 to index
        %get3A_1076 = arith.index_cast %multiple_of3A_1074 : i32 to index
        %get3A_1077 = tpu.vector_load %arg14[%get3A_1075, %get3A_1076] {strides = array<i32>} : memref<208x128xf32, #tpu.memory_space<vmem>>, vector<1x16xf32>,
        %get3A_1078 = vector.shape_cast %get3A_1077 : vector<1x16xf32> to vector<16xf32>
        %mul3A_1079 = arith.mulf %get3A_1071, %get3A_1078 : vector<16xf32>
        %swap3A_1080 = arith.index_cast %scan3A_34 : i32 to index
        %swap3A_1081 = arith.constant 672 : index
        %swap3A_1082 = tpu.vector_load %arg15[%swap3A_1080, %swap3A_1081] {strides = array<i32>} : memref<8x832xf32, #tpu.memory_space<vmem>>, vector<1x16xf32>,
        %swap3A_1083 = vector.shape_cast %swap3A_1082 : vector<1x16xf32> to vector<16xf32>
        %swap3A_1084 = vector.shape_cast %mul3A_1079 : vector<16xf32> to vector<1x16xf32>
        tpu.vector_store %arg15[%swap3A_1080, %swap3A_1081], %swap3A_1084 {strides = array<i32>} : memref<8x832xf32, #tpu.memory_space<vmem>>, vector<1x16xf32>,
        %add3A_1085 = arith.constant 16 : i32
        %add3A_1086 = arith.addi %multiple_of3A_1059, %add3A_1085 : i32
        %multiple_of3A_1087 = tpu.assume_multiple %add3A_1086, 16 : i32
        %get3A_1088 = arith.index_cast %add3A_1064 : i32 to index
        %get3A_1089 = arith.index_cast %multiple_of3A_1087 : i32 to index
        %get3A_1090 = tpu.vector_load %arg13[%get3A_1088, %get3A_1089] {strides = array<i32>} : memref<208x128xf32, #tpu.memory_space<vmem>>, vector<1x16xf32>,
        %get3A_1091 = vector.shape_cast %get3A_1090 : vector<1x16xf32> to vector<16xf32>
        %add3A_1092 = arith.constant 16 : i32
        %add3A_1093 = arith.addi %multiple_of3A_1062, %add3A_1092 : i32
        %multiple_of3A_1094 = tpu.assume_multiple %add3A_1093, 16 : i32
        %get3A_1095 = arith.index_cast %add3A_1064 : i32 to index
        %get3A_1096 = arith.index_cast %multiple_of3A_1094 : i32 to index
        %get3A_1097 = tpu.vector_load %arg14[%get3A_1095, %get3A_1096] {strides = array<i32>} : memref<208x128xf32, #tpu.memory_space<vmem>>, vector<1x16xf32>,
        %get3A_1098 = vector.shape_cast %get3A_1097 : vector<1x16xf32> to vector<16xf32>
        %mul3A_1099 = arith.mulf %get3A_1091, %get3A_1098 : vector<16xf32>
        %swap3A_1100 = arith.index_cast %scan3A_34 : i32 to index
        %swap3A_1101 = arith.constant 688 : index
        %swap3A_1102 = tpu.vector_load %arg15[%swap3A_1100, %swap3A_1101] {strides = array<i32>} : memref<8x832xf32, #tpu.memory_space<vmem>>, vector<1x16xf32>,
        %swap3A_1103 = vector.shape_cast %swap3A_1102 : vector<1x16xf32> to vector<16xf32>
        %swap3A_1104 = vector.shape_cast %mul3A_1099 : vector<16xf32> to vector<1x16xf32>
        tpu.vector_store %arg15[%swap3A_1100, %swap3A_1101], %swap3A_1104 {strides = array<i32>} : memref<8x832xf32, #tpu.memory_space<vmem>>, vector<1x16xf32>,
        %slice3A_1105 = vector.extract_strided_slice %get3A_43 {offsets = [6], sizes = [1], strides = [1]} : vector<16xi32> to vector<1xi32>
        %squeeze3A_1106 = vector.extract %slice3A_1105[0] : i32 from vector<1xi32>
        %multiple_of3A_1107 = tpu.assume_multiple %squeeze3A_1106, 32 : i32
        %slice3A_1108 = vector.extract_strided_slice %get3A_51 {offsets = [6], sizes = [1], strides = [1]} : vector<16xi32> to vector<1xi32>
        %squeeze3A_1109 = vector.extract %slice3A_1108[0] : i32 from vector<1xi32>
        %multiple_of3A_1110 = tpu.assume_multiple %squeeze3A_1109, 32 : i32
        %add3A_1111 = arith.constant 22 : i32
        %add3A_1112 = arith.addi %mul3A_36, %add3A_1111 : i32
        %add3A_1113 = arith.constant 0 : i32
        %add3A_1114 = arith.addi %multiple_of3A_1107, %add3A_1113 : i32
        %multiple_of3A_1115 = tpu.assume_multiple %add3A_1114, 16 : i32
        %get3A_1116 = arith.index_cast %add3A_1112 : i32 to index
        %get3A_1117 = arith.index_cast %multiple_of3A_1115 : i32 to index
        %get3A_1118 = tpu.vector_load %arg13[%get3A_1116, %get3A_1117] {strides = array<i32>} : memref<208x128xf32, #tpu.memory_space<vmem>>, vector<1x16xf32>,
        %get3A_1119 = vector.shape_cast %get3A_1118 : vector<1x16xf32> to vector<16xf32>
        %add3A_1120 = arith.constant 0 : i32
        %add3A_1121 = arith.addi %multiple_of3A_1110, %add3A_1120 : i32
        %multiple_of3A_1122 = tpu.assume_multiple %add3A_1121, 16 : i32
        %get3A_1123 = arith.index_cast %add3A_1112 : i32 to index
        %get3A_1124 = arith.index_cast %multiple_of3A_1122 : i32 to index
        %get3A_1125 = tpu.vector_load %arg14[%get3A_1123, %get3A_1124] {strides = array<i32>} : memref<208x128xf32, #tpu.memory_space<vmem>>, vector<1x16xf32>,
        %get3A_1126 = vector.shape_cast %get3A_1125 : vector<1x16xf32> to vector<16xf32>
        %mul3A_1127 = arith.mulf %get3A_1119, %get3A_1126 : vector<16xf32>
        %swap3A_1128 = arith.index_cast %scan3A_34 : i32 to index
        %swap3A_1129 = arith.constant 704 : index
        %swap3A_1130 = tpu.vector_load %arg15[%swap3A_1128, %swap3A_1129] {strides = array<i32>} : memref<8x832xf32, #tpu.memory_space<vmem>>, vector<1x16xf32>,
        %swap3A_1131 = vector.shape_cast %swap3A_1130 : vector<1x16xf32> to vector<16xf32>
        %swap3A_1132 = vector.shape_cast %mul3A_1127 : vector<16xf32> to vector<1x16xf32>
        tpu.vector_store %arg15[%swap3A_1128, %swap3A_1129], %swap3A_1132 {strides = array<i32>} : memref<8x832xf32, #tpu.memory_space<vmem>>, vector<1x16xf32>,
        %add3A_1133 = arith.constant 16 : i32
        %add3A_1134 = arith.addi %multiple_of3A_1107, %add3A_1133 : i32
        %multiple_of3A_1135 = tpu.assume_multiple %add3A_1134, 16 : i32
        %get3A_1136 = arith.index_cast %add3A_1112 : i32 to index
        %get3A_1137 = arith.index_cast %multiple_of3A_1135 : i32 to index
        %get3A_1138 = tpu.vector_load %arg13[%get3A_1136, %get3A_1137] {strides = array<i32>} : memref<208x128xf32, #tpu.memory_space<vmem>>, vector<1x16xf32>,
        %get3A_1139 = vector.shape_cast %get3A_1138 : vector<1x16xf32> to vector<16xf32>
        %add3A_1140 = arith.constant 16 : i32
        %add3A_1141 = arith.addi %multiple_of3A_1110, %add3A_1140 : i32
        %multiple_of3A_1142 = tpu.assume_multiple %add3A_1141, 16 : i32
        %get3A_1143 = arith.index_cast %add3A_1112 : i32 to index
        %get3A_1144 = arith.index_cast %multiple_of3A_1142 : i32 to index
        %get3A_1145 = tpu.vector_load %arg14[%get3A_1143, %get3A_1144] {strides = array<i32>} : memref<208x128xf32, #tpu.memory_space<vmem>>, vector<1x16xf32>,
        %get3A_1146 = vector.shape_cast %get3A_1145 : vector<1x16xf32> to vector<16xf32>
        %mul3A_1147 = arith.mulf %get3A_1139, %get3A_1146 : vector<16xf32>
        %swap3A_1148 = arith.index_cast %scan3A_34 : i32 to index
        %swap3A_1149 = arith.constant 720 : index
        %swap3A_1150 = tpu.vector_load %arg15[%swap3A_1148, %swap3A_1149] {strides = array<i32>} : memref<8x832xf32, #tpu.memory_space<vmem>>, vector<1x16xf32>,
        %swap3A_1151 = vector.shape_cast %swap3A_1150 : vector<1x16xf32> to vector<16xf32>
        %swap3A_1152 = vector.shape_cast %mul3A_1147 : vector<16xf32> to vector<1x16xf32>
        tpu.vector_store %arg15[%swap3A_1148, %swap3A_1149], %swap3A_1152 {strides = array<i32>} : memref<8x832xf32, #tpu.memory_space<vmem>>, vector<1x16xf32>,
        %slice3A_1153 = vector.extract_strided_slice %get3A_43 {offsets = [7], sizes = [1], strides = [1]} : vector<16xi32> to vector<1xi32>
        %squeeze3A_1154 = vector.extract %slice3A_1153[0] : i32 from vector<1xi32>
        %multiple_of3A_1155 = tpu.assume_multiple %squeeze3A_1154, 32 : i32
        %slice3A_1156 = vector.extract_strided_slice %get3A_51 {offsets = [7], sizes = [1], strides = [1]} : vector<16xi32> to vector<1xi32>
        %squeeze3A_1157 = vector.extract %slice3A_1156[0] : i32 from vector<1xi32>
        %multiple_of3A_1158 = tpu.assume_multiple %squeeze3A_1157, 32 : i32
        %add3A_1159 = arith.constant 23 : i32
        %add3A_1160 = arith.addi %mul3A_36, %add3A_1159 : i32
        %add3A_1161 = arith.constant 0 : i32
        %add3A_1162 = arith.addi %multiple_of3A_1155, %add3A_1161 : i32
        %multiple_of3A_1163 = tpu.assume_multiple %add3A_1162, 16 : i32
        %get3A_1164 = arith.index_cast %add3A_1160 : i32 to index
        %get3A_1165 = arith.index_cast %multiple_of3A_1163 : i32 to index
        %get3A_1166 = tpu.vector_load %arg13[%get3A_1164, %get3A_1165] {strides = array<i32>} : memref<208x128xf32, #tpu.memory_space<vmem>>, vector<1x16xf32>,
        %get3A_1167 = vector.shape_cast %get3A_1166 : vector<1x16xf32> to vector<16xf32>
        %add3A_1168 = arith.constant 0 : i32
        %add3A_1169 = arith.addi %multiple_of3A_1158, %add3A_1168 : i32
        %multiple_of3A_1170 = tpu.assume_multiple %add3A_1169, 16 : i32
        %get3A_1171 = arith.index_cast %add3A_1160 : i32 to index
        %get3A_1172 = arith.index_cast %multiple_of3A_1170 : i32 to index
        %get3A_1173 = tpu.vector_load %arg14[%get3A_1171, %get3A_1172] {strides = array<i32>} : memref<208x128xf32, #tpu.memory_space<vmem>>, vector<1x16xf32>,
        %get3A_1174 = vector.shape_cast %get3A_1173 : vector<1x16xf32> to vector<16xf32>
        %mul3A_1175 = arith.mulf %get3A_1167, %get3A_1174 : vector<16xf32>
        %swap3A_1176 = arith.index_cast %scan3A_34 : i32 to index
        %swap3A_1177 = arith.constant 736 : index
        %swap3A_1178 = tpu.vector_load %arg15[%swap3A_1176, %swap3A_1177] {strides = array<i32>} : memref<8x832xf32, #tpu.memory_space<vmem>>, vector<1x16xf32>,
        %swap3A_1179 = vector.shape_cast %swap3A_1178 : vector<1x16xf32> to vector<16xf32>
        %swap3A_1180 = vector.shape_cast %mul3A_1175 : vector<16xf32> to vector<1x16xf32>
        tpu.vector_store %arg15[%swap3A_1176, %swap3A_1177], %swap3A_1180 {strides = array<i32>} : memref<8x832xf32, #tpu.memory_space<vmem>>, vector<1x16xf32>,
        %add3A_1181 = arith.constant 16 : i32
        %add3A_1182 = arith.addi %multiple_of3A_1155, %add3A_1181 : i32
        %multiple_of3A_1183 = tpu.assume_multiple %add3A_1182, 16 : i32
        %get3A_1184 = arith.index_cast %add3A_1160 : i32 to index
        %get3A_1185 = arith.index_cast %multiple_of3A_1183 : i32 to index
        %get3A_1186 = tpu.vector_load %arg13[%get3A_1184, %get3A_1185] {strides = array<i32>} : memref<208x128xf32, #tpu.memory_space<vmem>>, vector<1x16xf32>,
        %get3A_1187 = vector.shape_cast %get3A_1186 : vector<1x16xf32> to vector<16xf32>
        %add3A_1188 = arith.constant 16 : i32
        %add3A_1189 = arith.addi %multiple_of3A_1158, %add3A_1188 : i32
        %multiple_of3A_1190 = tpu.assume_multiple %add3A_1189, 16 : i32
        %get3A_1191 = arith.index_cast %add3A_1160 : i32 to index
        %get3A_1192 = arith.index_cast %multiple_of3A_1190 : i32 to index
        %get3A_1193 = tpu.vector_load %arg14[%get3A_1191, %get3A_1192] {strides = array<i32>} : memref<208x128xf32, #tpu.memory_space<vmem>>, vector<1x16xf32>,
        %get3A_1194 = vector.shape_cast %get3A_1193 : vector<1x16xf32> to vector<16xf32>
        %mul3A_1195 = arith.mulf %get3A_1187, %get3A_1194 : vector<16xf32>
        %swap3A_1196 = arith.index_cast %scan3A_34 : i32 to index
        %swap3A_1197 = arith.constant 752 : index
        %swap3A_1198 = tpu.vector_load %arg15[%swap3A_1196, %swap3A_1197] {strides = array<i32>} : memref<8x832xf32, #tpu.memory_space<vmem>>, vector<1x16xf32>,
        %swap3A_1199 = vector.shape_cast %swap3A_1198 : vector<1x16xf32> to vector<16xf32>
        %swap3A_1200 = vector.shape_cast %mul3A_1195 : vector<16xf32> to vector<1x16xf32>
        tpu.vector_store %arg15[%swap3A_1196, %swap3A_1197], %swap3A_1200 {strides = array<i32>} : memref<8x832xf32, #tpu.memory_space<vmem>>, vector<1x16xf32>,
        %slice3A_1201 = vector.extract_strided_slice %get3A_43 {offsets = [8], sizes = [1], strides = [1]} : vector<16xi32> to vector<1xi32>
        %squeeze3A_1202 = vector.extract %slice3A_1201[0] : i32 from vector<1xi32>
        %multiple_of3A_1203 = tpu.assume_multiple %squeeze3A_1202, 32 : i32
        %slice3A_1204 = vector.extract_strided_slice %get3A_51 {offsets = [8], sizes = [1], strides = [1]} : vector<16xi32> to vector<1xi32>
        %squeeze3A_1205 = vector.extract %slice3A_1204[0] : i32 from vector<1xi32>
        %multiple_of3A_1206 = tpu.assume_multiple %squeeze3A_1205, 32 : i32
        %add3A_1207 = arith.constant 24 : i32
        %add3A_1208 = arith.addi %mul3A_36, %add3A_1207 : i32
        %add3A_1209 = arith.constant 0 : i32
        %add3A_1210 = arith.addi %multiple_of3A_1203, %add3A_1209 : i32
        %multiple_of3A_1211 = tpu.assume_multiple %add3A_1210, 16 : i32
        %get3A_1212 = arith.index_cast %add3A_1208 : i32 to index
        %get3A_1213 = arith.index_cast %multiple_of3A_1211 : i32 to index
        %get3A_1214 = tpu.vector_load %arg13[%get3A_1212, %get3A_1213] {strides = array<i32>} : memref<208x128xf32, #tpu.memory_space<vmem>>, vector<1x16xf32>,
        %get3A_1215 = vector.shape_cast %get3A_1214 : vector<1x16xf32> to vector<16xf32>
        %add3A_1216 = arith.constant 0 : i32
        %add3A_1217 = arith.addi %multiple_of3A_1206, %add3A_1216 : i32
        %multiple_of3A_1218 = tpu.assume_multiple %add3A_1217, 16 : i32
        %get3A_1219 = arith.index_cast %add3A_1208 : i32 to index
        %get3A_1220 = arith.index_cast %multiple_of3A_1218 : i32 to index
        %get3A_1221 = tpu.vector_load %arg14[%get3A_1219, %get3A_1220] {strides = array<i32>} : memref<208x128xf32, #tpu.memory_space<vmem>>, vector<1x16xf32>,
        %get3A_1222 = vector.shape_cast %get3A_1221 : vector<1x16xf32> to vector<16xf32>
        %mul3A_1223 = arith.mulf %get3A_1215, %get3A_1222 : vector<16xf32>
        %swap3A_1224 = arith.index_cast %scan3A_34 : i32 to index
        %swap3A_1225 = arith.constant 768 : index
        %swap3A_1226 = tpu.vector_load %arg15[%swap3A_1224, %swap3A_1225] {strides = array<i32>} : memref<8x832xf32, #tpu.memory_space<vmem>>, vector<1x16xf32>,
        %swap3A_1227 = vector.shape_cast %swap3A_1226 : vector<1x16xf32> to vector<16xf32>
        %swap3A_1228 = vector.shape_cast %mul3A_1223 : vector<16xf32> to vector<1x16xf32>
        tpu.vector_store %arg15[%swap3A_1224, %swap3A_1225], %swap3A_1228 {strides = array<i32>} : memref<8x832xf32, #tpu.memory_space<vmem>>, vector<1x16xf32>,
        %add3A_1229 = arith.constant 16 : i32
        %add3A_1230 = arith.addi %multiple_of3A_1203, %add3A_1229 : i32
        %multiple_of3A_1231 = tpu.assume_multiple %add3A_1230, 16 : i32
        %get3A_1232 = arith.index_cast %add3A_1208 : i32 to index
        %get3A_1233 = arith.index_cast %multiple_of3A_1231 : i32 to index
        %get3A_1234 = tpu.vector_load %arg13[%get3A_1232, %get3A_1233] {strides = array<i32>} : memref<208x128xf32, #tpu.memory_space<vmem>>, vector<1x16xf32>,
        %get3A_1235 = vector.shape_cast %get3A_1234 : vector<1x16xf32> to vector<16xf32>
        %add3A_1236 = arith.constant 16 : i32
        %add3A_1237 = arith.addi %multiple_of3A_1206, %add3A_1236 : i32
        %multiple_of3A_1238 = tpu.assume_multiple %add3A_1237, 16 : i32
        %get3A_1239 = arith.index_cast %add3A_1208 : i32 to index
        %get3A_1240 = arith.index_cast %multiple_of3A_1238 : i32 to index
        %get3A_1241 = tpu.vector_load %arg14[%get3A_1239, %get3A_1240] {strides = array<i32>} : memref<208x128xf32, #tpu.memory_space<vmem>>, vector<1x16xf32>,
        %get3A_1242 = vector.shape_cast %get3A_1241 : vector<1x16xf32> to vector<16xf32>
        %mul3A_1243 = arith.mulf %get3A_1235, %get3A_1242 : vector<16xf32>
        %swap3A_1244 = arith.index_cast %scan3A_34 : i32 to index
        %swap3A_1245 = arith.constant 784 : index
        %swap3A_1246 = tpu.vector_load %arg15[%swap3A_1244, %swap3A_1245] {strides = array<i32>} : memref<8x832xf32, #tpu.memory_space<vmem>>, vector<1x16xf32>,
        %swap3A_1247 = vector.shape_cast %swap3A_1246 : vector<1x16xf32> to vector<16xf32>
        %swap3A_1248 = vector.shape_cast %mul3A_1243 : vector<16xf32> to vector<1x16xf32>
        tpu.vector_store %arg15[%swap3A_1244, %swap3A_1245], %swap3A_1248 {strides = array<i32>} : memref<8x832xf32, #tpu.memory_space<vmem>>, vector<1x16xf32>,
        %slice3A_1249 = vector.extract_strided_slice %get3A_43 {offsets = [9], sizes = [1], strides = [1]} : vector<16xi32> to vector<1xi32>
        %squeeze3A_1250 = vector.extract %slice3A_1249[0] : i32 from vector<1xi32>
        %multiple_of3A_1251 = tpu.assume_multiple %squeeze3A_1250, 32 : i32
        %slice3A_1252 = vector.extract_strided_slice %get3A_51 {offsets = [9], sizes = [1], strides = [1]} : vector<16xi32> to vector<1xi32>
        %squeeze3A_1253 = vector.extract %slice3A_1252[0] : i32 from vector<1xi32>
        %multiple_of3A_1254 = tpu.assume_multiple %squeeze3A_1253, 32 : i32
        %add3A_1255 = arith.constant 25 : i32
        %add3A_1256 = arith.addi %mul3A_36, %add3A_1255 : i32
        %add3A_1257 = arith.constant 0 : i32
        %add3A_1258 = arith.addi %multiple_of3A_1251, %add3A_1257 : i32
        %multiple_of3A_1259 = tpu.assume_multiple %add3A_1258, 16 : i32
        %get3A_1260 = arith.index_cast %add3A_1256 : i32 to index
        %get3A_1261 = arith.index_cast %multiple_of3A_1259 : i32 to index
        %get3A_1262 = tpu.vector_load %arg13[%get3A_1260, %get3A_1261] {strides = array<i32>} : memref<208x128xf32, #tpu.memory_space<vmem>>, vector<1x16xf32>,
        %get3A_1263 = vector.shape_cast %get3A_1262 : vector<1x16xf32> to vector<16xf32>
        %add3A_1264 = arith.constant 0 : i32
        %add3A_1265 = arith.addi %multiple_of3A_1254, %add3A_1264 : i32
        %multiple_of3A_1266 = tpu.assume_multiple %add3A_1265, 16 : i32
        %get3A_1267 = arith.index_cast %add3A_1256 : i32 to index
        %get3A_1268 = arith.index_cast %multiple_of3A_1266 : i32 to index
        %get3A_1269 = tpu.vector_load %arg14[%get3A_1267, %get3A_1268] {strides = array<i32>} : memref<208x128xf32, #tpu.memory_space<vmem>>, vector<1x16xf32>,
        %get3A_1270 = vector.shape_cast %get3A_1269 : vector<1x16xf32> to vector<16xf32>
        %mul3A_1271 = arith.mulf %get3A_1263, %get3A_1270 : vector<16xf32>
        %swap3A_1272 = arith.index_cast %scan3A_34 : i32 to index
        %swap3A_1273 = arith.constant 800 : index
        %swap3A_1274 = tpu.vector_load %arg15[%swap3A_1272, %swap3A_1273] {strides = array<i32>} : memref<8x832xf32, #tpu.memory_space<vmem>>, vector<1x16xf32>,
        %swap3A_1275 = vector.shape_cast %swap3A_1274 : vector<1x16xf32> to vector<16xf32>
        %swap3A_1276 = vector.shape_cast %mul3A_1271 : vector<16xf32> to vector<1x16xf32>
        tpu.vector_store %arg15[%swap3A_1272, %swap3A_1273], %swap3A_1276 {strides = array<i32>} : memref<8x832xf32, #tpu.memory_space<vmem>>, vector<1x16xf32>,
        %add3A_1277 = arith.constant 16 : i32
        %add3A_1278 = arith.addi %multiple_of3A_1251, %add3A_1277 : i32
        %multiple_of3A_1279 = tpu.assume_multiple %add3A_1278, 16 : i32
        %get3A_1280 = arith.index_cast %add3A_1256 : i32 to index
        %get3A_1281 = arith.index_cast %multiple_of3A_1279 : i32 to index
        %get3A_1282 = tpu.vector_load %arg13[%get3A_1280, %get3A_1281] {strides = array<i32>} : memref<208x128xf32, #tpu.memory_space<vmem>>, vector<1x16xf32>,
        %get3A_1283 = vector.shape_cast %get3A_1282 : vector<1x16xf32> to vector<16xf32>
        %add3A_1284 = arith.constant 16 : i32
        %add3A_1285 = arith.addi %multiple_of3A_1254, %add3A_1284 : i32
        %multiple_of3A_1286 = tpu.assume_multiple %add3A_1285, 16 : i32
        %get3A_1287 = arith.index_cast %add3A_1256 : i32 to index
        %get3A_1288 = arith.index_cast %multiple_of3A_1286 : i32 to index
        %get3A_1289 = tpu.vector_load %arg14[%get3A_1287, %get3A_1288] {strides = array<i32>} : memref<208x128xf32, #tpu.memory_space<vmem>>, vector<1x16xf32>,
        %get3A_1290 = vector.shape_cast %get3A_1289 : vector<1x16xf32> to vector<16xf32>
        %mul3A_1291 = arith.mulf %get3A_1283, %get3A_1290 : vector<16xf32>
        %swap3A_1292 = arith.index_cast %scan3A_34 : i32 to index
        %swap3A_1293 = arith.constant 816 : index
        %swap3A_1294 = tpu.vector_load %arg15[%swap3A_1292, %swap3A_1293] {strides = array<i32>} : memref<8x832xf32, #tpu.memory_space<vmem>>, vector<1x16xf32>,
        %swap3A_1295 = vector.shape_cast %swap3A_1294 : vector<1x16xf32> to vector<16xf32>
        %swap3A_1296 = vector.shape_cast %mul3A_1291 : vector<16xf32> to vector<1x16xf32>
        tpu.vector_store %arg15[%swap3A_1292, %swap3A_1293], %swap3A_1296 {strides = array<i32>} : memref<8x832xf32, #tpu.memory_space<vmem>>, vector<1x16xf32>,
      }
      %scan3A_33 = arith.constant 8 : i32
      "tpu.region"() ({
        %run_scoped3A = tpu.sem_alloc : memref<!tpu.dma_semaphore, #tpu.memory_space<semaphore_mem>>
        %dma_start3A_34 = arith.constant 0 : i32
        %dma_start3A_35 = tpu.memref_slice %arg8[%multiple_of3A_17, %dma_start3A_34] : memref<16384x832xf32, #tpu.memory_space<hbm>> -> memref<8x832xf32, #tpu.memory_space<hbm>>
        %dma_start3A_36 = arith.constant 0 : i32
        %dma_start3A_37 = tpu.memref_slice %arg8[%multiple_of3A_17, %dma_start3A_36] : memref<16384x832xf32, #tpu.memory_space<hbm>> -> memref<8x832xf32, #tpu.memory_space<hbm>>
        tpu.enqueue_dma source(%arg15 : memref<8x832xf32, #tpu.memory_space<vmem>>) target(%dma_start3A_37 : memref<8x832xf32, #tpu.memory_space<hbm>>) target_semaphore(%run_scoped3A : memref<!tpu.dma_semaphore, #tpu.memory_space<semaphore_mem>>)
        %dma_wait3A_38 = arith.constant 0 : i32
        %dma_wait3A_39 = tpu.memref_slice %arg8[%multiple_of3A_17, %dma_wait3A_38] : memref<16384x832xf32, #tpu.memory_space<hbm>> -> memref<8x832xf32, #tpu.memory_space<hbm>>
        %dma_wait3A_40 = arith.constant 0 : i32
        %dma_wait3A_41 = tpu.memref_slice %arg8[%multiple_of3A_17, %dma_wait3A_40] : memref<16384x832xf32, #tpu.memory_space<hbm>> -> memref<8x832xf32, #tpu.memory_space<hbm>>
        tpu.wait_dma2 semaphore(%run_scoped3A : memref<!tpu.dma_semaphore, #tpu.memory_space<semaphore_mem>>) src(%arg15 : memref<8x832xf32, #tpu.memory_space<vmem>>) dst(%dma_wait3A_41 : memref<8x832xf32, #tpu.memory_space<hbm>>)
        tpu.yield
      }) : () -> ()
    }
    %scan3A_5 = arith.constant 64 : i32
    return
  }
}

module attributes {stable_mosaic.version = 14 : i64} {
  func.func @_repack_body(%arg0: i32, %arg1: memref<32x16000xf32, #tpu.memory_space<vmem>>, %arg2: memref<4000x128xf32, #tpu.memory_space<vmem>>) attributes {dimension_semantics = [#tpu.dimension_semantics<arbitrary>], iteration_bounds = array<i64: 63>, scalar_prefetch = 0 : i64, scratch_operands = 0 : i64, tpu.core_type = #tpu.core_type<tc>, window_params = [{transform_indices = @transform_0, window_bounds = array<i64: 32, 16000>}, {transform_indices = @transform_1, window_bounds = array<i64: 4000, 128>}]} {
    %get3A = arith.constant 0 : index
    %get3A_0 = arith.constant 0 : index
    %get3A_1 = vector.load %arg1[%get3A, %get3A_0] : memref<32x16000xf32, #tpu.memory_space<vmem>>, vector<32x16000xf32>
    %slice3A = vector.extract_strided_slice %get3A_1 {offsets = [0, 0], sizes = [32, 4000], strides = [1, 1]} : vector<32x16000xf32> to vector<32x4000xf32>
    %transpose3A = tpu.transpose %slice3A, [1, 0] : vector<32x4000xf32> -> vector<4000x32xf32>
    %slice3A_2 = vector.extract_strided_slice %get3A_1 {offsets = [0, 4000], sizes = [32, 4000], strides = [1, 1]} : vector<32x16000xf32> to vector<32x4000xf32>
    %transpose3A_3 = tpu.transpose %slice3A_2, [1, 0] : vector<32x4000xf32> -> vector<4000x32xf32>
    %slice3A_4 = vector.extract_strided_slice %get3A_1 {offsets = [0, 8000], sizes = [32, 4000], strides = [1, 1]} : vector<32x16000xf32> to vector<32x4000xf32>
    %transpose3A_5 = tpu.transpose %slice3A_4, [1, 0] : vector<32x4000xf32> -> vector<4000x32xf32>
    %slice3A_6 = vector.extract_strided_slice %get3A_1 {offsets = [0, 12000], sizes = [32, 4000], strides = [1, 1]} : vector<32x16000xf32> to vector<32x4000xf32>
    %transpose3A_7 = tpu.transpose %slice3A_6, [1, 0] : vector<32x4000xf32> -> vector<4000x32xf32>
    %concatenate3A = tpu.concatenate %transpose3A, %transpose3A_3, %transpose3A_5, %transpose3A_7 in 1 : vector<4000x32xf32>, vector<4000x32xf32>, vector<4000x32xf32>, vector<4000x32xf32> -> vector<4000x128xf32>
    %swap3A = arith.constant 0 : index
    %swap3A_8 = arith.constant 0 : index
    %swap3A_9 = vector.load %arg2[%swap3A, %swap3A_8] : memref<4000x128xf32, #tpu.memory_space<vmem>>, vector<4000x128xf32>
    tpu.vector_store %arg2[%swap3A, %swap3A_8], %concatenate3A {strides = array<i32>} : memref<4000x128xf32, #tpu.memory_space<vmem>>, vector<4000x128xf32>,
    return
  }
  func.func @transform_0(%arg0: i32) -> (i32, i32) {
    %c0_i32 = arith.constant 0 : i32
    %c0_i32_0 = arith.constant 0 : i32
    return %c0_i32, %arg0 : i32, i32
  }
  func.func @transform_1(%arg0: i32) -> (i32, i32) {
    %c0_i32 = arith.constant 0 : i32
    %c0_i32_0 = arith.constant 0 : i32
    return %arg0, %c0_i32 : i32, i32
  }
}

module attributes {stable_mosaic.version = 14 : i64} {
  func.func @_tc_body(%arg0: i32, %arg1: memref<2048x832xf32, #tpu.memory_space<vmem>>, %arg2: memref<832x128xbf16, #tpu.memory_space<vmem>>, %arg3: memref<1x128xf32, #tpu.memory_space<vmem>>, %arg4: memref<2048x128xf32, #tpu.memory_space<vmem>>) attributes {dimension_semantics = [#tpu.dimension_semantics<arbitrary>], iteration_bounds = array<i64: 8>, scalar_prefetch = 0 : i64, scratch_operands = 0 : i64, tpu.core_type = #tpu.core_type<tc>, window_params = [{transform_indices = @transform_0, window_bounds = array<i64: 2048, 832>}, {pipeline_mode = #tpu.pipeline_mode<synchronous>, transform_indices = @transform_1, window_bounds = array<i64: 832, 128>}, {pipeline_mode = #tpu.pipeline_mode<synchronous>, transform_indices = @transform_2, window_bounds = array<i64: 1, 128>}, {transform_indices = @transform_3, window_bounds = array<i64: 2048, 128>}]} {
    %get3A = arith.constant 0 : index
    %get3A_0 = arith.constant 0 : index
    %get3A_1 = vector.load %arg1[%get3A, %get3A_0] : memref<2048x832xf32, #tpu.memory_space<vmem>>, vector<2048x832xf32>
    %tanh3A = math.tanh %get3A_1 : vector<2048x832xf32>
    %convert_element_type3A = arith.truncf %tanh3A : vector<2048x832xf32> to vector<2048x832xbf16>
    %get3A_2 = arith.constant 0 : index
    %get3A_3 = arith.constant 0 : index
    %get3A_4 = vector.load %arg2[%get3A_2, %get3A_3] : memref<832x128xbf16, #tpu.memory_space<vmem>>, vector<832x128xbf16>
    %dot_general3A = arith.constant dense<0.000000e+00> : vector<2048x128xf32>
    %dot_general3A_5 = tpu.matmul %convert_element_type3A, %get3A_4, %dot_general3A {dimension_numbers = #tpu.dot_dimension_numbers<[1], [0], [0], [1], [0, 0, 1, 1], [], []>, transpose_lhs_hint = false} : vector<2048x832xbf16>, vector<832x128xbf16>, vector<2048x128xf32> -> vector<2048x128xf32>
    %get3A_6 = arith.constant 0 : index
    %get3A_7 = arith.constant 0 : index
    %get3A_8 = vector.load %arg3[%get3A_6, %get3A_7] : memref<1x128xf32, #tpu.memory_space<vmem>>, vector<1x128xf32>
    %add3A = vector.broadcast %get3A_8 : vector<1x128xf32> to vector<2048x128xf32>
    %add3A_9 = arith.addf %dot_general3A_5, %add3A : vector<2048x128xf32>
    %swap3A = arith.constant 0 : index
    %swap3A_10 = arith.constant 0 : index
    %swap3A_11 = vector.load %arg4[%swap3A, %swap3A_10] : memref<2048x128xf32, #tpu.memory_space<vmem>>, vector<2048x128xf32>
    tpu.vector_store %arg4[%swap3A, %swap3A_10], %add3A_9 {strides = array<i32>} : memref<2048x128xf32, #tpu.memory_space<vmem>>, vector<2048x128xf32>,
    return
  }
  func.func @transform_0(%arg0: i32) -> (i32, i32) {
    %c0_i32 = arith.constant 0 : i32
    %c0_i32_0 = arith.constant 0 : i32
    return %arg0, %c0_i32 : i32, i32
  }
  func.func @transform_1(%arg0: i32) -> (i32, i32) {
    %c0_i32 = arith.constant 0 : i32
    %c0_i32_0 = arith.constant 0 : i32
    %c0_i32_1 = arith.constant 0 : i32
    return %c0_i32, %c0_i32_0 : i32, i32
  }
  func.func @transform_2(%arg0: i32) -> (i32, i32) {
    %c0_i32 = arith.constant 0 : i32
    %c0_i32_0 = arith.constant 0 : i32
    %c0_i32_1 = arith.constant 0 : i32
    return %c0_i32, %c0_i32_0 : i32, i32
  }
  func.func @transform_3(%arg0: i32) -> (i32, i32) {
    %c0_i32 = arith.constant 0 : i32
    %c0_i32_0 = arith.constant 0 : i32
    return %arg0, %c0_i32 : i32, i32
  }
}

</mosaic_0001>

<sc_bundles>
// kernel: kernel.6.cloned.1.call-start
scs
__scs_entry_jumppad:
0x0: {  	(pc) =	sbr.rel $0x88, $3  }
0x1: {  	(tag) =	ssettag $0x0;
	lr =	simm.s32 $0x1  }
0x2: {  	[smem:$0x3F9C] =	sst lr;
	_ =	strace $0xD0000000  }
0x3: {  	_ = 	snop  }
0x4: {  	_ = 	snop  }
0x5: {  	_ = 	snop  }
0x6: {  	_ = 	snop  }
0x7: {  	_ = 	snop  }
__scs_overlays_trampoline_lowered:
0x8: {  	[smem:$0x3FAB] =	sst s0  }
0x9: {  	[smem:$0x3FAC] =	sst s1  }
0xa: {  	[smem:$0x3FAD] =	sst s2  }
0xb: {  	[smem:$0x3FAE] =	sst s3  }
0xc: {  	[smem:$0x3FAF] =	sst s4  }
0xd: {  	[smem:$0x3FB0] =	sst s5  }
0xe: {  	[smem:$0x3FB1] =	sst s6  }
0xf: {  	[smem:$0x3FB2] =	sst s7  }
0x10: {  	[smem:$0x3FB3] =	sst s8  }
0x11: {  	[smem:$0x3FB4] =	sst s9;
	s0 =	simm.s32 @!p0 $0x0  }
0x12: {  	s1 =	sld [smem:$0x3F9A];
	s0 =	simm.s32 @p0 $0x1  }
0x13: {  	[smem:$0x3FB5] =	sst s0;
	s0 =	simm.s32 @!p1 $0x0  }
0x14: {  	s2 =	sld [smem:$0x3F99];
	s0 =	simm.s32 @p1 $0x1  }
0x15: {  	[smem:$0x3FB6] =	sst s0;
	s0 =	simm.s32 @!p2 $0x0  }
0x16: {  	s3 =	sld [smem:$0x3FDB];
	s0 =	simm.s32 @p2 $0x1  }
0x17: {  	s4 =	simm.s32 $0x1BF5;
	[smem:$0x3FB8] =	sst s0  }
0x18: {  	s0 =	sld [smem:$0x3F9B];
	_ =	swait.ge [sflag:s4], $0x0  }
0x19: {  	s7 =	sld [smem:$0x3F9C]  }
0x1a: {  	s8 =	sadd.s32 $0xFFFFE003, lr  }
0x1b: {  	s9 =	sadd.s32 $0xFFFFFEF7, lr;
	s5 =	simm.s32 $0xFFFFFFFF;
	p2 =	slt.u32 s8, $0xFFFFF086  }
0x1c: {  	p1 =	slt.u32 s9, $0xF7A;
	s5 =	simm.s32 @!p2 $0x0  }
0x1d: {  	s5 =	simm.s32 @p1 $0x1;
	p0 =	seq.s32 s7, s2  }
0x1e: {  	s7 =	smul.u32 @!p0 $0xF7A, s2;
	p2 =	seq.s32 @!p0 s5, $0x0  }
0x1f: {  	s9 =	smul.u32 $0xF7A, s1;
	s8 =	simm.s32 @!p0 $0x1BF5;
	p2 =	por !p2, p0  }
0x20: {  	[sflag:s8] =	ssyncset.s32 @!p0 $0xFFFFF086;
	s6 =	sadd.s32 @!p0 s3, s7;
	s7 =	simm.s32 @!p0 $0x108  }
0x21: {  	s3 =	sadd.s32 s3, s9;
	s6 =	sadd.s32 @!p0 $0x88, s6;
	s7 =	simm.s32 @p2 $0x1082  }
0x22: {  	[simem:s7], [sflag:s8] =	dma.local @!p0 [hbm:s6], $0xF7A  }
0x23: {  	s9 =	sor.u32 $0xD0000000, s2;
	s6 =	simm.s32 $0x108;
	_ =	swait.ge @!p0 [sflag:s8], $0x0  }
0x24: {  	s3 =	sadd.s32 $0x88, s3;
	s6 =	simm.s32 @!p1 $0x1082;
	[sflag:s4] =	ssyncset.s32 $0xFFFFF086  }
0x25: {  	[simem:s6], [sflag:s4] =	dma.local [hbm:s3], $0xF7A  }
0x26: {  	[smem:$0x3F9C] =	sst s1;
	(tag) =	ssettag s2;
	_ =	strace s9  }
0x27: {  	s1 =	sld [smem:$0x3FAC]  }
0x28: {  	s2 =	sld [smem:$0x3FAD]  }
0x29: {  	s4 =	sld [smem:$0x3FAF]  }
0x2a: {  	p0 =	seq.s32 s5, $0x0;
	s5 =	sld [smem:$0x3FB0]  }
0x2b: {  	s6 =	sld [smem:$0x3FB1]  }
0x2c: {  	s7 =	sld [smem:$0x3FB2]  }
0x2d: {  	s3 =	simm.s32 $0x108;
	s8 =	sld [smem:$0x3FB3]  }
0x2e: {  	s3 =	simm.s32 @!p0 $0x1082;
	s9 =	sld [smem:$0x3FB4]  }
0x2f: {  	lr =	sadd.s32 s0, s3;
	s0 =	sld [smem:$0x3FAB]  }
0x30: {  	s3 =	sld [smem:$0x3FAE]  }
0x31: {  	[smem:$0x3FB7] =	sst s10  }
0x32: {  	s10 =	sld [smem:$0x3FB5];
	_ =	sdelay $0x3  }
0x33: {  	p0 =	seq.s32 s10, $0x1;
	s10 =	sld [smem:$0x3FB7];
	_ =	sdelay $0x3  }
0x34: {  	[smem:$0x3FB7] =	sst s10  }
0x35: {  	s10 =	sld [smem:$0x3FB6];
	_ =	sdelay $0x3  }
0x36: {  	p1 =	seq.s32 s10, $0x1;
	s10 =	sld [smem:$0x3FB7];
	_ =	sdelay $0x3  }
0x37: {  	[smem:$0x3FB7] =	sst s10  }
0x38: {  	s10 =	sld [smem:$0x3FB8]  }
0x39: {  	_ = 	snop;
	(pc) =	sbr.ind lr, $3  }
0x3a: {  	_ = 	snop  }
0x3b: {  	_ = 	snop  }
0x3c: {  	p2 =	seq.s32 s10, $0x1;
	s10 =	sld [smem:$0x3FB7]  }
0x3d: {  	_ =	shalt  }
0x3e: {  	_ =	shalt  }
0x3f: {  	_ =	shalt  }
0x40: {  	_ =	shalt  }
0x41: {  	_ =	shalt  }
0x42: {  	_ =	shalt  }
0x43: {  	_ =	shalt  }
0x44: {  	_ =	shalt  }
0x45: {  	_ =	shalt  }
0x46: {  	_ =	shalt  }
0x47: {  	_ =	shalt  }
0x48: {  	_ =	shalt  }
0x49: {  	_ =	shalt  }
0x4a: {  	_ =	shalt  }
0x4b: {  	_ =	shalt  }
0x4c: {  	_ =	shalt  }
0x4d: {  	_ =	shalt  }
0x4e: {  	_ =	shalt  }
0x4f: {  	_ =	shalt  }
0x50: {  	_ =	shalt  }
0x51: {  	_ =	shalt  }
0x52: {  	_ =	shalt  }
0x53: {  	_ =	shalt  }
0x54: {  	_ =	shalt  }
0x55: {  	_ =	shalt  }
0x56: {  	_ =	shalt  }
0x57: {  	_ =	shalt  }
0x58: {  	_ =	shalt  }
0x59: {  	_ =	shalt  }
0x5a: {  	_ =	shalt  }
0x5b: {  	_ =	shalt  }
0x5c: {  	_ =	shalt  }
0x5d: {  	_ =	shalt  }
0x5e: {  	_ =	shalt  }
0x5f: {  	_ =	shalt  }
0x60: {  	_ =	shalt  }
0x61: {  	_ =	shalt  }
0x62: {  	_ =	shalt  }
0x63: {  	_ =	shalt  }
0x64: {  	_ =	shalt  }
0x65: {  	_ =	shalt  }
0x66: {  	_ =	shalt  }
0x67: {  	_ =	shalt  }
0x68: {  	_ =	shalt  }
0x69: {  	_ =	shalt  }
0x6a: {  	_ =	shalt  }
0x6b: {  	_ =	shalt  }
0x6c: {  	_ =	shalt  }
0x6d: {  	_ =	shalt  }
0x6e: {  	_ =	shalt  }
0x6f: {  	_ =	shalt  }
0x70: {  	_ =	shalt  }
0x71: {  	_ =	shalt  }
0x72: {  	_ =	shalt  }
0x73: {  	_ =	shalt  }
0x74: {  	_ =	shalt  }
0x75: {  	_ =	shalt  }
0x76: {  	_ =	shalt  }
0x77: {  	_ =	shalt  }
0x78: {  	_ =	shalt  }
0x79: {  	_ =	shalt  }
0x7a: {  	_ =	shalt  }
0x7b: {  	_ =	shalt  }
0x7c: {  	_ =	shalt  }
0x7d: {  	_ =	shalt  }
0x7e: {  	_ =	shalt  }
0x7f: {  	_ =	shalt  }
0x80: {  	_ =	shalt  }
0x81: {  	_ =	shalt  }
0x82: {  	_ =	shalt  }
0x83: {  	_ =	shalt  }
0x84: {  	_ =	shalt  }
0x85: {  	_ =	shalt  }
0x86: {  	_ =	shalt  }
0x87: {  	_ =	shalt  }
.Lfunc_end0:
.L_simem_size_0:
called_computation_lowered:
.L_overlay_start_0:
0x88: {  	s2 =	sld [smem:$0x3FD9]  }
0x89: {  	s3 =	sld [smem:$0x3FFE];
	_ =	sdelay $0x1  }
0x8a: {  	s1 =	srdreg.scid  }
0x8b: {  	s0 =	sand.u32 $0x1, s1  }
0x8c: {  	s17 =	sshll.u32 s0, $0xA;
	s2 =	sadd.s32 s3, s2  }
0x8d: {  	s2 =	sadd.s32 s2, s17  }
0x8e: {  	[smem:$0x3FC3] =	sst s2  }
0x8f: {  	_ = 	snop  }
0x90: {  	s2 =	sld [smem:$0x3FD0];
	(tm) =	ssettm $0x1  }
0x91: {  	s18 =	sld [smem:$0x3FFB];
	_ =	sdelay $0x3  }
0x92: {  	_ =	strace s18  }
0x93: {  	s3 =	sld [smem:$0x3FFC];
	_ =	sdelay $0x3  }
0x94: {  	_ =	strace s3  }
0x95: {  	s3 =	sld [smem:$0x3FFD];
	_ =	sdelay $0x3  }
0x96: {  	_ =	strace s3  }
0x97: {  	_ =	strace $0x8FFFFFFF  }
0x98: {  	s19 =	sld [smem:$0x3FDB];
	_ =	sdelay $0x1  }
0x99: {  	s4 =	simm.s32 $_scs_section_size  }
0x9a: {  	s5 =	simm.s32 $_size__tile_overlayer_lowered;
	s6 =	simm.s32 $_tile_overlayer_lowered  }
0x9b: {  	s22 =	simm.s32 $0x1BFF;
	s21 =	sshll.u32 s6, $0x1;
	s3 =	sadd.s32 s4, s19  }
0x9c: {  	s7 =	simm.s32 $0x0;
	s20 =	sshll.u32 s5, $0x1;
	s5 =	sadd.s32 s21, s3  }
0x9d: {  	[timem:s7], [sflag:s22] =	dma.local [hbm:s5], s20  }
0x9e: {  	_ =	swait.ge [sflag:s22], s20  }
0x9f: {  	s4 =	ssub.s32 $0x0, s20;
	[sflag:s22] =	ssyncset.done $0x0  }
0xa0: {  	[sflag:s22] =	ssyncadd.s32 s4;
	_ =	sdelay $0x1  }
0xa1: {  	s23 =	simm.s32 $0x1B8B  }
0xa2: {  	_ =	swait.ge [sflag:s23], $0x1  }
0xa3: {  	[sflag:s23] =	ssyncset.done $0x0  }
0xa4: {  	s25 =	simm.s32 $0x1B8E;
	s24 =	sld [smem:$0x3FFE];
	[sflag:s23] =	ssyncadd.s32 $0xFFFFFFFF  }
0xa5: {  	s26 =	simm.s32 $execute0_lowered;
	[smem:$0x3FD2] =	sst s25  }
0xa6: {  	s5 =	sshll.u32 s26, $0x1;
	_ =	strace $0x80000046;
	[dreg:$0x1] =	wrdreg $0xFFFFFFFF  }
0xa7: {  	s28 =	simm.s32 $_size_execute0_lowered;
	s3 =	sadd.s32 s3, s5;
	[dreg:$0x0] =	wrdreg $0x0  }
0xa8: {  	s5 =	sshll.u32 s28, $0x1;
	[dreg:$0x2] =	wrdreg s3  }
0xa9: {  	[dreg:$0x3] =	wrdreg s5  }
0xaa: {  	[dreg:$0x4] =	wrdreg $0xC0  }
0xab: {  	_ =	task [dreg:s7], $0x5FFFF  }
0xac: {  	[dreg:$0x1] =	wrdreg $0xFFFFFFFF  }
0xad: {  	[dreg:$0x0] =	wrdreg $0x60  }
0xae: {  	[dreg:$0x2] =	wrdreg s24  }
0xaf: {  	[dreg:$0x3] =	wrdreg s2  }
0xb0: {  	[dreg:$0x4] =	wrdreg $0x9  }
0xb1: {  	_ =	task.clear_ibuf [dreg:s7], $0x5FFFF;
	_ =	strace $0x90000046  }
0xb2: {  	s29 =	simm.s32 $0x9;
	_ =	strace $0x80000048  }
0xb3: {  	_ =	swait.ge [sflag:s29], $0x1  }
0xb4: {  	[sflag:s29] =	ssyncadd.s32 $0xFFFFFFFF  }
0xb5: {  	_ =	strace $0x90000048  }
0xb6: {  	_ =	sfence  }
0xb7: {  	s30 =	sld [smem:$0x0];
	_ =	sdelay $0x2  }
0xb8: {  	s31 =	sshll.u32 s1, $0xD;
	s1 =	sshrl.u32 s1, $0x2  }
0xb9: {  	s3 =	sand.u32 $0x4000, s31;
	s1 =	sadd.s32 s1, s30  }
0xba: {  	s0 =	sor.u32 s3, s0;
	s1 =	sshll.u32 s1, $0x11  }
0xbb: {  	s0 =	sor.u32 s1, s0  }
0xbc: {  	s0 =	sadd.s32 $0x8F2B, s0  }
0xbd: {  	[sflag:s0] =	ssyncadd.remote.s32 $0x1  }
0xbe: {  	_ =	sfence.sel $0xFFFF  }
0xbf: {  	[dreg:$0x0] =	wrdreg $0xFFFFFFFF;
	(pc) =	sbr.abs _section_cstart, $3  }
0xc0: {  	[dreg:$0x1] =	wrdreg $0xFFFFFFFF  }
0xc1: {  	_ =	task.clear_ibuf [dreg:s7], $0x2FFFF;
	_ =	strace $0x9FFFFFFF  }
0xc2: {  	(tm) =	ssettm $0x7FFFFFFF  }
0xc3: {  	_ =	shalt  }
tec
execute0_lowered:
.L_overlay_start_1:
0x0: {  	(tag) =	ssettag $0x1  }
0x1: {  	s6 =	rddreg [dreg:$0x0]  }
0x2: {  	s1 =	rddreg [dreg:$0x1]  }
0x3: {  	s0 =	rddreg [dreg:$0x2];
	s2 =	simm.s32 $0x0;
	s7 =	srdreg.scid  }
0x4: {  	s13 =	simm.s32 $0x100;
	s14 =	simm.s32 $0x200;
	s15 =	simm.s32 $0x300  }
0x5: {  	s16 =	simm.s32 $0xD0;
	s17 =	simm.s32 $0x400;
	s18 =	simm.s32 $0x6C00  }
0x6: {  	s19 =	simm.s32 $0x1;
	s20 =	simm.s32 $0xD400;
	s21 =	simm.s32 $0x0  }
0x7: {  	[smem:$0x7FF] =	sst s2;
	s3 =	sadd.s32 $0x1A00, s6;
	s4 =	sadd.s32 $0xEA00, s6  }
0x8: {  	s5 =	sadd.s32 $0x1BA00, s6;
	s10 =	sand.u32 $0x1, s7;
	s7 =	sadd.s32 $0x35A00, s6  }
0x9: {  	s8 =	sadd.s32 $0x40E000, s6;
	s9 =	sadd.s32 $0x7E6600, s6;
	s11 =	ssub.s32 $0x2, s10  }
0xa: {  	s6 =	stileid.u32;
	_ =	strace $0x80000047;
	s12 =	sshrl.u32 s11, $0x1  }
0xb: {  	s31 =	sshll.u32 s6, $0x7;
	s10 =	sshll.u32 s10, $0x6;
	s11 =	ssub.s32 s11, s12  }
0xc: {  	s10 =	sor.u32 s10, s31;
	s12 =	simm.s32 $0x2;
	s11 =	smax.u32 s11, $0x1  }
.LBB2_1:
0xd: {  	s22 =	simm.s32 $0x0  }
.LBB2_2:
0xe: {  	s23 =	sadd.s32 s10, s22  }
0xf: {  	s25 =	smul.u32 $0x1A, s23;
	_ =	sdelay $0x1  }
0x10: {  	s24 =	simm.s32 $0x0;
	s26 =	sadd.s32 s3, s25  }
0x11: {  	[tilespmem:s24], [sflag:$0x2] =	stream.linear.gather [hbm4b:s26+s24], $0xD0, $0x38;
	[tilespmem:$0xF000] =	vst v63  }
0x12: {  	_ =	swait.ge [sflag:s12], $0xD0  }
0x13: {  	[sflag:s12] =	ssyncset.done $0x0  }
0x14: {  	s30 =	sadd.s32 s4, s25;
	[sflag:s12] =	ssyncadd.s32 $0xFFFFFF30  }
0x15: {  	[tilespmem:s13], [sflag:$0x2] =	stream.linear.gather [hbm4b:s30+s24], $0xD0, $0x38;
	[tilespmem:$0xF000] =	vst v63  }
0x16: {  	_ =	swait.ge [sflag:s12], $0xD0  }
0x17: {  	[sflag:s12] =	ssyncset.done $0x0  }
0x18: {  	s31 =	sadd.s32 s1, s25;
	[sflag:s12] =	ssyncadd.s32 $0xFFFFFF30  }
0x19: {  	[tilespmem:s14], [sflag:$0x2] =	stream.linear.gather [hbm4b:s31+s24], $0xD0, $0x38;
	[tilespmem:$0xF000] =	vst v63  }
0x1a: {  	_ =	swait.ge [sflag:s12], $0xD0  }
0x1b: {  	[sflag:s12] =	ssyncset.done $0x0  }
0x1c: {  	s25 =	sadd.s32 s5, s25;
	[sflag:s12] =	ssyncadd.s32 $0xFFFFFF30  }
0x1d: {  	[tilespmem:s15], [sflag:$0x2] =	stream.linear.gather [hbm4b:s25+s24], $0xD0, $0x38;
	[tilespmem:$0xF000] =	vst v63  }
0x1e: {  	_ =	swait.ge [sflag:s12], $0xD0  }
0x1f: {  	[sflag:s12] =	ssyncset.done $0x0  }
0x20: {  	[sflag:s12] =	ssyncadd.s32 $0xFFFFFF30  }
0x21: {  	[tilespmem:s17], [sflag:$0x1] =	stream.indirect.gather [hbm4b:s7+s16], $0x80, s24, s16, $0xb8;
	[tilespmem:$0xF000] =	vst v63  }
0x22: {  	_ = 	snop  }
0x23: {  	[tilespmem:s18], [sflag:$0x1] =	stream.indirect.gather [hbm4b:s8+s16], $0x80, s13, s16, $0xb8;
	[tilespmem:$0xF000] =	vst v63  }
0x24: {  	_ =	swait.ge [sflag:s19], $0x6800  }
0x25: {  	[sflag:s19] =	ssyncset.done $0x0  }
0x26: {  	[sflag:s19] =	ssyncadd.s32 $0xFFFF9800  }
0x27: {  	_ =	swait.ge [sflag:s19], $0x6800  }
0x28: {  	s28 =	simm.s32 $0xE020;
	[sflag:s19] =	ssyncset.done $0x0  }
0x29: {  	s26 =	simm.s32 $0x210;
	s25 =	simm.s32 $0x310;
	[sflag:s19] =	ssyncadd.s32 $0xFFFF9800  }
.LBB2_3:
0x2a: {  	v0 =	vld [tilespmem:s26+$0xFFFFFFF0]  }
0x2b: {  	v1 =	vld [tilespmem:s25+$0xFFFFFFF0];
	_ =	sdelay $0x3  }
0x2c: {  	v0 =	vshll.u32 v0, $0x2  }
0x2d: {  	v1 =	vshll.u32 v1, $0x2;
	v0 =	vshra.s32 v0, $0x2  }
0x2e: {  	v1 =	vshra.s32 v1, $0x2;
	(v2sf) =	vpush v0, $0x0  }
0x2f: {  	(v2sf) =	vpush v1, $0x0;
	_ =	sdelay $0xd  }
0x30: {  	s29 =	spop (v2sf)  }
0x31: {  	s30 =	sand.u32 $0xFFFFFFE0, s29;
	s29 =	sshra.s32 s24, $0x2;
	s31 =	spop (v2sf)  }
0x32: {  	s30 =	sadd.s32 s29, s30;
	s31 =	sand.u32 $0xFFFFFFE0, s31  }
0x33: {  	(v2sf) =	vpush v0, $0x1;
	v2 =	vld [tilespmem:s30+$0x400];
	s31 =	sadd.s32 s29, s31  }
0x34: {  	(v2sf) =	vpush v1, $0x1;
	v4 =	vld [tilespmem:s31+$0x6C00];
	_ =	sdelay $0x4  }
0x35: {  	v4 =	vmul.f32 v4, v2  }
0x36: {  	v3 =	vld [tilespmem:s26+$0x0]  }
0x37: {  	v9 =	vld [tilespmem:s25+$0x0];
	[tilespmem:s28+$0xFFFFF3E0] =	vst v4  }
0x38: {  	v4 =	vld [tilespmem:s30+$0x410]  }
0x39: {  	v5 =	vld [tilespmem:s31+$0x6C10];
	_ =	sdelay $0x4  }
0x3a: {  	s31 =	spop (v2sf);
	v4 =	vmul.f32 v5, v4  }
0x3b: {  	s30 =	sand.u32 $0xFFFFFFE0, s31;
	s31 =	spop (v2sf)  }
0x3c: {  	s30 =	sadd.s32 s29, s30;
	s31 =	sand.u32 $0xFFFFFFE0, s31;
	[tilespmem:s28+$0xFFFFF3F0] =	vst v4  }
0x3d: {  	(v2sf) =	vpush v0, $0x2;
	s31 =	sadd.s32 s29, s31;
	v4 =	vld [tilespmem:s30+$0x480]  }
0x3e: {  	(v2sf) =	vpush v1, $0x2;
	v10 =	vld [tilespmem:s31+$0x6C80];
	_ =	sdelay $0x4  }
0x3f: {  	v4 =	vmul.f32 v10, v4;
	_ =	sdelay $0x1  }
0x40: {  	[tilespmem:s28+$0xFFFFF400] =	vst v4  }
0x41: {  	v4 =	vld [tilespmem:s30+$0x490]  }
0x42: {  	v11 =	vld [tilespmem:s31+$0x6C90];
	_ =	sdelay $0x4  }
0x43: {  	s31 =	spop (v2sf);
	v4 =	vmul.f32 v11, v4  }
0x44: {  	s30 =	sand.u32 $0xFFFFFFE0, s31;
	s31 =	spop (v2sf)  }
0x45: {  	s30 =	sadd.s32 s29, s30;
	s31 =	sand.u32 $0xFFFFFFE0, s31;
	[tilespmem:s28+$0xFFFFF410] =	vst v4  }
0x46: {  	(v2sf) =	vpush v0, $0x3;
	s31 =	sadd.s32 s29, s31;
	v4 =	vld [tilespmem:s30+$0x500]  }
0x47: {  	(v2sf) =	vpush v1, $0x3;
	v12 =	vld [tilespmem:s31+$0x6D00];
	_ =	sdelay $0x4  }
0x48: {  	v4 =	vmul.f32 v12, v4;
	_ =	sdelay $0x1  }
0x49: {  	[tilespmem:s28+$0xFFFFF420] =	vst v4  }
0x4a: {  	v4 =	vld [tilespmem:s30+$0x510]  }
0x4b: {  	v13 =	vld [tilespmem:s31+$0x6D10];
	_ =	sdelay $0x4  }
0x4c: {  	s31 =	spop (v2sf);
	v4 =	vmul.f32 v13, v4  }
0x4d: {  	s30 =	sand.u32 $0xFFFFFFE0, s31;
	s31 =	spop (v2sf)  }
0x4e: {  	s30 =	sadd.s32 s29, s30;
	s31 =	sand.u32 $0xFFFFFFE0, s31;
	[tilespmem:s28+$0xFFFFF430] =	vst v4  }
0x4f: {  	(v2sf) =	vpush v0, $0x4;
	s31 =	sadd.s32 s29, s31;
	v4 =	vld [tilespmem:s30+$0x580]  }
0x50: {  	(v2sf) =	vpush v1, $0x4;
	v14 =	vld [tilespmem:s31+$0x6D80];
	_ =	sdelay $0x4  }
0x51: {  	v4 =	vmul.f32 v14, v4;
	_ =	sdelay $0x1  }
0x52: {  	[tilespmem:s28+$0xFFFFF440] =	vst v4  }
0x53: {  	v4 =	vld [tilespmem:s30+$0x590]  }
0x54: {  	v15 =	vld [tilespmem:s31+$0x6D90];
	_ =	sdelay $0x4  }
0x55: {  	s31 =	spop (v2sf);
	v4 =	vmul.f32 v15, v4  }
0x56: {  	s30 =	sand.u32 $0xFFFFFFE0, s31;
	s31 =	spop (v2sf)  }
0x57: {  	s30 =	sadd.s32 s29, s30;
	s31 =	sand.u32 $0xFFFFFFE0, s31;
	[tilespmem:s28+$0xFFFFF450] =	vst v4  }
0x58: {  	(v2sf) =	vpush v0, $0x5;
	s31 =	sadd.s32 s29, s31;
	v4 =	vld [tilespmem:s30+$0x600]  }
0x59: {  	(v2sf) =	vpush v1, $0x5;
	v16 =	vld [tilespmem:s31+$0x6E00];
	_ =	sdelay $0x4  }
0x5a: {  	v4 =	vmul.f32 v16, v4;
	_ =	sdelay $0x1  }
0x5b: {  	[tilespmem:s28+$0xFFFFF7E0] =	vst v4  }
0x5c: {  	v4 =	vld [tilespmem:s30+$0x610]  }
0x5d: {  	v17 =	vld [tilespmem:s31+$0x6E10];
	_ =	sdelay $0x4  }
0x5e: {  	s31 =	spop (v2sf);
	v4 =	vmul.f32 v17, v4  }
0x5f: {  	s30 =	sand.u32 $0xFFFFFFE0, s31;
	s31 =	spop (v2sf)  }
0x60: {  	s30 =	sadd.s32 s29, s30;
	s31 =	sand.u32 $0xFFFFFFE0, s31;
	[tilespmem:s28+$0xFFFFF7F0] =	vst v4  }
0x61: {  	(v2sf) =	vpush v0, $0x6;
	s31 =	sadd.s32 s29, s31;
	v4 =	vld [tilespmem:s30+$0x680]  }
0x62: {  	(v2sf) =	vpush v1, $0x6;
	v18 =	vld [tilespmem:s31+$0x6E80];
	_ =	sdelay $0x4  }
0x63: {  	v4 =	vmul.f32 v18, v4;
	_ =	sdelay $0x1  }
0x64: {  	[tilespmem:s28+$0xFFFFF800] =	vst v4  }
0x65: {  	v4 =	vld [tilespmem:s30+$0x690]  }
0x66: {  	v19 =	vld [tilespmem:s31+$0x6E90];
	_ =	sdelay $0x4  }
0x67: {  	s31 =	spop (v2sf);
	v4 =	vmul.f32 v19, v4  }
0x68: {  	s30 =	sand.u32 $0xFFFFFFE0, s31;
	s31 =	spop (v2sf)  }
0x69: {  	s30 =	sadd.s32 s29, s30;
	s31 =	sand.u32 $0xFFFFFFE0, s31;
	[tilespmem:s28+$0xFFFFF810] =	vst v4  }
0x6a: {  	(v2sf) =	vpush v0, $0x7;
	s31 =	sadd.s32 s29, s31;
	v4 =	vld [tilespmem:s30+$0x700]  }
0x6b: {  	(v2sf) =	vpush v1, $0x7;
	v20 =	vld [tilespmem:s31+$0x6F00];
	_ =	sdelay $0x4  }
0x6c: {  	v4 =	vmul.f32 v20, v4;
	_ =	sdelay $0x1  }
0x6d: {  	[tilespmem:s28+$0xFFFFF820] =	vst v4  }
0x6e: {  	v4 =	vld [tilespmem:s30+$0x710]  }
0x6f: {  	v21 =	vld [tilespmem:s31+$0x6F10];
	_ =	sdelay $0x4  }
0x70: {  	s31 =	spop (v2sf);
	v4 =	vmul.f32 v21, v4  }
0x71: {  	s30 =	sand.u32 $0xFFFFFFE0, s31;
	s31 =	spop (v2sf)  }
0x72: {  	s30 =	sadd.s32 s29, s30;
	s31 =	sand.u32 $0xFFFFFFE0, s31;
	[tilespmem:s28+$0xFFFFF830] =	vst v4  }
0x73: {  	(v2sf) =	vpush v0, $0x8;
	s31 =	sadd.s32 s29, s31;
	v4 =	vld [tilespmem:s30+$0x780]  }
0x74: {  	(v2sf) =	vpush v1, $0x8;
	v22 =	vld [tilespmem:s31+$0x6F80];
	_ =	sdelay $0x4  }
0x75: {  	v4 =	vmul.f32 v22, v4;
	_ =	sdelay $0x1  }
0x76: {  	[tilespmem:s28+$0xFFFFF840] =	vst v4  }
0x77: {  	v4 =	vld [tilespmem:s30+$0x790]  }
0x78: {  	v23 =	vld [tilespmem:s31+$0x6F90];
	_ =	sdelay $0x4  }
0x79: {  	s31 =	spop (v2sf);
	v4 =	vmul.f32 v23, v4  }
0x7a: {  	s30 =	sand.u32 $0xFFFFFFE0, s31;
	s31 =	spop (v2sf)  }
0x7b: {  	s30 =	sadd.s32 s29, s30;
	s31 =	sand.u32 $0xFFFFFFE0, s31;
	[tilespmem:s28+$0xFFFFF850] =	vst v4  }
0x7c: {  	(v2sf) =	vpush v0, $0x9;
	s31 =	sadd.s32 s29, s31;
	v4 =	vld [tilespmem:s30+$0x800]  }
0x7d: {  	(v2sf) =	vpush v1, $0x9;
	v24 =	vld [tilespmem:s31+$0x7000];
	_ =	sdelay $0x4  }
0x7e: {  	v4 =	vmul.f32 v24, v4;
	_ =	sdelay $0x1  }
0x7f: {  	[tilespmem:s28+$0xFFFFFBE0] =	vst v4  }
0x80: {  	v4 =	vld [tilespmem:s30+$0x810]  }
0x81: {  	v25 =	vld [tilespmem:s31+$0x7010];
	_ =	sdelay $0x4  }
0x82: {  	s31 =	spop (v2sf);
	v4 =	vmul.f32 v25, v4  }
0x83: {  	s30 =	sand.u32 $0xFFFFFFE0, s31;
	s31 =	spop (v2sf)  }
0x84: {  	s30 =	sadd.s32 s29, s30;
	s31 =	sand.u32 $0xFFFFFFE0, s31;
	[tilespmem:s28+$0xFFFFFBF0] =	vst v4  }
0x85: {  	(v2sf) =	vpush v0, $0xA;
	s31 =	sadd.s32 s29, s31;
	v4 =	vld [tilespmem:s30+$0x880]  }
0x86: {  	(v2sf) =	vpush v1, $0xA;
	v26 =	vld [tilespmem:s31+$0x7080];
	_ =	sdelay $0x4  }
0x87: {  	v4 =	vmul.f32 v26, v4;
	_ =	sdelay $0x1  }
0x88: {  	[tilespmem:s28+$0xFFFFFC00] =	vst v4  }
0x89: {  	v4 =	vld [tilespmem:s30+$0x890]  }
0x8a: {  	v27 =	vld [tilespmem:s31+$0x7090];
	_ =	sdelay $0x4  }
0x8b: {  	s31 =	spop (v2sf);
	v4 =	vmul.f32 v27, v4  }
0x8c: {  	s30 =	sand.u32 $0xFFFFFFE0, s31;
	s31 =	spop (v2sf)  }
0x8d: {  	s30 =	sadd.s32 s29, s30;
	s31 =	sand.u32 $0xFFFFFFE0, s31;
	[tilespmem:s28+$0xFFFFFC10] =	vst v4  }
0x8e: {  	(v2sf) =	vpush v0, $0xB;
	s31 =	sadd.s32 s29, s31;
	v4 =	vld [tilespmem:s30+$0x900]  }
0x8f: {  	(v2sf) =	vpush v1, $0xB;
	v28 =	vld [tilespmem:s31+$0x7100];
	_ =	sdelay $0x4  }
0x90: {  	v4 =	vmul.f32 v28, v4;
	_ =	sdelay $0x1  }
0x91: {  	[tilespmem:s28+$0xFFFFFC20] =	vst v4  }
0x92: {  	v4 =	vld [tilespmem:s30+$0x910]  }
0x93: {  	v29 =	vld [tilespmem:s31+$0x7110];
	_ =	sdelay $0x4  }
0x94: {  	s31 =	spop (v2sf);
	v4 =	vmul.f32 v29, v4  }
0x95: {  	s30 =	sand.u32 $0xFFFFFFE0, s31;
	s31 =	spop (v2sf)  }
0x96: {  	s30 =	sadd.s32 s29, s30;
	s31 =	sand.u32 $0xFFFFFFE0, s31;
	[tilespmem:s28+$0xFFFFFC30] =	vst v4  }
0x97: {  	(v2sf) =	vpush v0, $0xC;
	s31 =	sadd.s32 s29, s31;
	v4 =	vld [tilespmem:s30+$0x980]  }
0x98: {  	(v2sf) =	vpush v1, $0xC;
	v30 =	vld [tilespmem:s31+$0x7180];
	_ =	sdelay $0x4  }
0x99: {  	v4 =	vmul.f32 v30, v4;
	_ =	sdelay $0x1  }
0x9a: {  	[tilespmem:s28+$0xFFFFFC40] =	vst v4  }
0x9b: {  	v4 =	vld [tilespmem:s30+$0x990]  }
0x9c: {  	v31 =	vld [tilespmem:s31+$0x7190];
	_ =	sdelay $0x4  }
0x9d: {  	s31 =	spop (v2sf);
	v4 =	vmul.f32 v31, v4  }
0x9e: {  	s30 =	sand.u32 $0xFFFFFFE0, s31;
	s31 =	spop (v2sf)  }
0x9f: {  	s30 =	sadd.s32 s29, s30;
	s31 =	sand.u32 $0xFFFFFFE0, s31;
	[tilespmem:s28+$0xFFFFFC50] =	vst v4  }
0xa0: {  	(v2sf) =	vpush v0, $0xD;
	s31 =	sadd.s32 s29, s31;
	v4 =	vld [tilespmem:s30+$0xA00]  }
0xa1: {  	(v2sf) =	vpush v1, $0xD;
	v32 =	vld [tilespmem:s31+$0x7200];
	_ =	sdelay $0x4  }
0xa2: {  	v4 =	vmul.f32 v32, v4;
	_ =	sdelay $0x1  }
0xa3: {  	[tilespmem:s28+$0xFFFFFFE0] =	vst v4  }
0xa4: {  	v4 =	vld [tilespmem:s30+$0xA10]  }
0xa5: {  	v33 =	vld [tilespmem:s31+$0x7210];
	_ =	sdelay $0x4  }
0xa6: {  	s31 =	spop (v2sf);
	v4 =	vmul.f32 v33, v4  }
0xa7: {  	s30 =	sand.u32 $0xFFFFFFE0, s31;
	s31 =	spop (v2sf)  }
0xa8: {  	s30 =	sadd.s32 s29, s30;
	s31 =	sand.u32 $0xFFFFFFE0, s31;
	[tilespmem:s28+$0xFFFFFFF0] =	vst v4  }
0xa9: {  	(v2sf) =	vpush v0, $0xE;
	s31 =	sadd.s32 s29, s31;
	v4 =	vld [tilespmem:s30+$0xA80]  }
0xaa: {  	(v2sf) =	vpush v1, $0xE;
	v34 =	vld [tilespmem:s31+$0x7280];
	_ =	sdelay $0x4  }
0xab: {  	v4 =	vmul.f32 v34, v4;
	_ =	sdelay $0x1  }
0xac: {  	[tilespmem:s28+$0x0] =	vst v4  }
0xad: {  	v4 =	vld [tilespmem:s30+$0xA90]  }
0xae: {  	v35 =	vld [tilespmem:s31+$0x7290];
	_ =	sdelay $0x4  }
0xaf: {  	s31 =	spop (v2sf);
	v4 =	vmul.f32 v35, v4  }
0xb0: {  	s30 =	sand.u32 $0xFFFFFFE0, s31;
	s31 =	spop (v2sf)  }
0xb1: {  	s30 =	sadd.s32 s29, s30;
	s31 =	sand.u32 $0xFFFFFFE0, s31;
	[tilespmem:s28+$0x10] =	vst v4  }
0xb2: {  	(v2sf) =	vpush v0, $0xF;
	s31 =	sadd.s32 s29, s31;
	v4 =	vld [tilespmem:s30+$0xB00]  }
0xb3: {  	(v2sf) =	vpush v1, $0xF;
	v36 =	vld [tilespmem:s31+$0x7300];
	_ =	sdelay $0x4  }
0xb4: {  	v0 =	vmul.f32 v36, v4;
	_ =	sdelay $0x1  }
0xb5: {  	[tilespmem:s28+$0x20] =	vst v0  }
0xb6: {  	v0 =	vld [tilespmem:s30+$0xB10]  }
0xb7: {  	v37 =	vld [tilespmem:s31+$0x7310];
	_ =	sdelay $0x4  }
0xb8: {  	s31 =	spop (v2sf);
	v0 =	vmul.f32 v37, v0  }
0xb9: {  	v38 =	vshll.u32 v3, $0x2;
	s30 =	sand.u32 $0xFFFFFFE0, s31;
	s31 =	spop (v2sf)  }
0xba: {  	v40 =	vshll.u32 v9, $0x2;
	v39 =	vshra.s32 v38, $0x2;
	s30 =	sadd.s32 s29, s30;
	s31 =	sand.u32 $0xFFFFFFE0, s31;
	[tilespmem:s28+$0x30] =	vst v0  }
0xbb: {  	v1 =	vshra.s32 v40, $0x2;
	(v2sf) =	vpush v39, $0x0;
	s31 =	sadd.s32 s29, s31;
	v41 =	vld [tilespmem:s30+$0xB80]  }
0xbc: {  	(v2sf) =	vpush v1, $0x0;
	v42 =	vld [tilespmem:s31+$0x7380];
	_ =	sdelay $0x4  }
0xbd: {  	v2 =	vmul.f32 v42, v41;
	_ =	sdelay $0x1  }
0xbe: {  	[tilespmem:s28+$0x40] =	vst v2  }
0xbf: {  	v2 =	vld [tilespmem:s30+$0xB90]  }
0xc0: {  	v43 =	vld [tilespmem:s31+$0x7390];
	_ =	sdelay $0x4  }
0xc1: {  	s31 =	spop (v2sf);
	v2 =	vmul.f32 v43, v2  }
0xc2: {  	s30 =	sand.u32 $0xFFFFFFE0, s31;
	s31 =	spop (v2sf)  }
0xc3: {  	s30 =	sadd.s32 s29, s30;
	s31 =	sand.u32 $0xFFFFFFE0, s31;
	[tilespmem:s28+$0x50] =	vst v2  }
0xc4: {  	(v2sf) =	vpush v39, $0x1;
	s31 =	sadd.s32 s29, s31;
	v2 =	vld [tilespmem:s30+$0xC00]  }
0xc5: {  	(v2sf) =	vpush v1, $0x1;
	v44 =	vld [tilespmem:s31+$0x7400];
	_ =	sdelay $0x4  }
0xc6: {  	v2 =	vmul.f32 v44, v2;
	_ =	sdelay $0x1  }
0xc7: {  	[tilespmem:s28+$0x3E0] =	vst v2  }
0xc8: {  	v2 =	vld [tilespmem:s30+$0xC10]  }
0xc9: {  	v45 =	vld [tilespmem:s31+$0x7410];
	_ =	sdelay $0x4  }
0xca: {  	s31 =	spop (v2sf);
	v2 =	vmul.f32 v45, v2  }
0xcb: {  	s30 =	sand.u32 $0xFFFFFFE0, s31;
	s31 =	spop (v2sf)  }
0xcc: {  	s30 =	sadd.s32 s29, s30;
	s31 =	sand.u32 $0xFFFFFFE0, s31;
	[tilespmem:s28+$0x3F0] =	vst v2  }
0xcd: {  	(v2sf) =	vpush v39, $0x2;
	s31 =	sadd.s32 s29, s31;
	v2 =	vld [tilespmem:s30+$0xC80]  }
0xce: {  	(v2sf) =	vpush v1, $0x2;
	v46 =	vld [tilespmem:s31+$0x7480];
	_ =	sdelay $0x4  }
0xcf: {  	v2 =	vmul.f32 v46, v2;
	_ =	sdelay $0x1  }
0xd0: {  	[tilespmem:s28+$0x400] =	vst v2  }
0xd1: {  	v2 =	vld [tilespmem:s30+$0xC90]  }
0xd2: {  	v47 =	vld [tilespmem:s31+$0x7490];
	_ =	sdelay $0x4  }
0xd3: {  	s31 =	spop (v2sf);
	v2 =	vmul.f32 v47, v2  }
0xd4: {  	s30 =	sand.u32 $0xFFFFFFE0, s31;
	s31 =	spop (v2sf)  }
0xd5: {  	s30 =	sadd.s32 s29, s30;
	s31 =	sand.u32 $0xFFFFFFE0, s31;
	[tilespmem:s28+$0x410] =	vst v2  }
0xd6: {  	(v2sf) =	vpush v39, $0x3;
	s31 =	sadd.s32 s29, s31;
	v2 =	vld [tilespmem:s30+$0xD00]  }
0xd7: {  	(v2sf) =	vpush v1, $0x3;
	v48 =	vld [tilespmem:s31+$0x7500];
	_ =	sdelay $0x4  }
0xd8: {  	v2 =	vmul.f32 v48, v2;
	_ =	sdelay $0x1  }
0xd9: {  	[tilespmem:s28+$0x420] =	vst v2  }
0xda: {  	v2 =	vld [tilespmem:s30+$0xD10]  }
0xdb: {  	v49 =	vld [tilespmem:s31+$0x7510];
	_ =	sdelay $0x4  }
0xdc: {  	s31 =	spop (v2sf);
	v2 =	vmul.f32 v49, v2  }
0xdd: {  	s30 =	sand.u32 $0xFFFFFFE0, s31;
	s31 =	spop (v2sf)  }
0xde: {  	s30 =	sadd.s32 s29, s30;
	s31 =	sand.u32 $0xFFFFFFE0, s31;
	[tilespmem:s28+$0x430] =	vst v2  }
0xdf: {  	(v2sf) =	vpush v39, $0x4;
	s31 =	sadd.s32 s29, s31;
	v2 =	vld [tilespmem:s30+$0xD80]  }
0xe0: {  	(v2sf) =	vpush v1, $0x4;
	v50 =	vld [tilespmem:s31+$0x7580];
	_ =	sdelay $0x4  }
0xe1: {  	v2 =	vmul.f32 v50, v2;
	_ =	sdelay $0x1  }
0xe2: {  	[tilespmem:s28+$0x440] =	vst v2  }
0xe3: {  	v2 =	vld [tilespmem:s30+$0xD90]  }
0xe4: {  	v51 =	vld [tilespmem:s31+$0x7590];
	_ =	sdelay $0x4  }
0xe5: {  	s31 =	spop (v2sf);
	v2 =	vmul.f32 v51, v2  }
0xe6: {  	s30 =	sand.u32 $0xFFFFFFE0, s31;
	s31 =	spop (v2sf)  }
0xe7: {  	s30 =	sadd.s32 s29, s30;
	s31 =	sand.u32 $0xFFFFFFE0, s31;
	[tilespmem:s28+$0x450] =	vst v2  }
0xe8: {  	(v2sf) =	vpush v39, $0x5;
	s31 =	sadd.s32 s29, s31;
	v2 =	vld [tilespmem:s30+$0xE00]  }
0xe9: {  	(v2sf) =	vpush v1, $0x5;
	v52 =	vld [tilespmem:s31+$0x7600];
	_ =	sdelay $0x4  }
0xea: {  	v2 =	vmul.f32 v52, v2;
	_ =	sdelay $0x1  }
0xeb: {  	[tilespmem:s28+$0x7E0] =	vst v2  }
0xec: {  	v2 =	vld [tilespmem:s30+$0xE10]  }
0xed: {  	v53 =	vld [tilespmem:s31+$0x7610];
	_ =	sdelay $0x4  }
0xee: {  	s31 =	spop (v2sf);
	v2 =	vmul.f32 v53, v2  }
0xef: {  	s30 =	sand.u32 $0xFFFFFFE0, s31;
	s31 =	spop (v2sf)  }
0xf0: {  	s30 =	sadd.s32 s29, s30;
	s31 =	sand.u32 $0xFFFFFFE0, s31;
	[tilespmem:s28+$0x7F0] =	vst v2  }
0xf1: {  	(v2sf) =	vpush v39, $0x6;
	s31 =	sadd.s32 s29, s31;
	v2 =	vld [tilespmem:s30+$0xE80]  }
0xf2: {  	(v2sf) =	vpush v1, $0x6;
	v54 =	vld [tilespmem:s31+$0x7680];
	_ =	sdelay $0x4  }
0xf3: {  	v2 =	vmul.f32 v54, v2;
	_ =	sdelay $0x1  }
0xf4: {  	[tilespmem:s28+$0x800] =	vst v2  }
0xf5: {  	v2 =	vld [tilespmem:s30+$0xE90]  }
0xf6: {  	v55 =	vld [tilespmem:s31+$0x7690];
	_ =	sdelay $0x4  }
0xf7: {  	s31 =	spop (v2sf);
	v2 =	vmul.f32 v55, v2  }
0xf8: {  	s30 =	sand.u32 $0xFFFFFFE0, s31;
	s31 =	spop (v2sf)  }
0xf9: {  	s30 =	sadd.s32 s29, s30;
	s31 =	sand.u32 $0xFFFFFFE0, s31;
	[tilespmem:s28+$0x810] =	vst v2  }
0xfa: {  	(v2sf) =	vpush v39, $0x7;
	s31 =	sadd.s32 s29, s31;
	v2 =	vld [tilespmem:s30+$0xF00]  }
0xfb: {  	(v2sf) =	vpush v1, $0x7;
	v56 =	vld [tilespmem:s31+$0x7700];
	_ =	sdelay $0x4  }
0xfc: {  	v2 =	vmul.f32 v56, v2;
	_ =	sdelay $0x1  }
0xfd: {  	[tilespmem:s28+$0x820] =	vst v2  }
0xfe: {  	v2 =	vld [tilespmem:s30+$0xF10]  }
0xff: {  	v57 =	vld [tilespmem:s31+$0x7710];
	_ =	sdelay $0x4  }
0x100: {  	s31 =	spop (v2sf);
	v2 =	vmul.f32 v57, v2  }
0x101: {  	s30 =	sand.u32 $0xFFFFFFE0, s31;
	s31 =	spop (v2sf)  }
0x102: {  	s30 =	sadd.s32 s29, s30;
	s31 =	sand.u32 $0xFFFFFFE0, s31;
	[tilespmem:s28+$0x830] =	vst v2  }
0x103: {  	(v2sf) =	vpush v39, $0x8;
	s31 =	sadd.s32 s29, s31;
	v2 =	vld [tilespmem:s30+$0xF80]  }
0x104: {  	(v2sf) =	vpush v1, $0x8;
	v58 =	vld [tilespmem:s31+$0x7780];
	_ =	sdelay $0x4  }
0x105: {  	v2 =	vmul.f32 v58, v2;
	_ =	sdelay $0x1  }
0x106: {  	[tilespmem:s28+$0x840] =	vst v2  }
0x107: {  	v2 =	vld [tilespmem:s30+$0xF90]  }
0x108: {  	v59 =	vld [tilespmem:s31+$0x7790];
	_ =	sdelay $0x4  }
0x109: {  	s31 =	spop (v2sf);
	v2 =	vmul.f32 v59, v2  }
0x10a: {  	s30 =	sand.u32 $0xFFFFFFE0, s31;
	s31 =	spop (v2sf)  }
0x10b: {  	s30 =	sadd.s32 s29, s30;
	s31 =	sand.u32 $0xFFFFFFE0, s31;
	[tilespmem:s28+$0x850] =	vst v2  }
0x10c: {  	(v2sf) =	vpush v39, $0x9;
	s31 =	sadd.s32 s29, s31;
	v2 =	vld [tilespmem:s30+$0x1000]  }
0x10d: {  	(v2sf) =	vpush v1, $0x9;
	v60 =	vld [tilespmem:s31+$0x7800];
	_ =	sdelay $0x4  }
0x10e: {  	v0 =	vmul.f32 v60, v2;
	_ =	sdelay $0x1  }
0x10f: {  	[tilespmem:s28+$0xBE0] =	vst v0  }
0x110: {  	v0 =	vld [tilespmem:s30+$0x1010]  }
0x111: {  	v61 =	vld [tilespmem:s31+$0x7810];
	_ =	sdelay $0x4  }
0x112: {  	s31 =	spop (v2sf);
	v0 =	vmul.f32 v61, v0  }
0x113: {  	s30 =	sand.u32 $0xFFFFFFE0, s31;
	s31 =	spop (v2sf)  }
0x114: {  	s30 =	sadd.s32 s29, s30;
	s31 =	sand.u32 $0xFFFFFFE0, s31;
	[tilespmem:s28+$0xBF0] =	vst v0  }
0x115: {  	s29 =	sadd.s32 s29, s31;
	v0 =	vld [tilespmem:s30+$0x1080]  }
0x116: {  	v62 =	vld [tilespmem:s29+$0x7880];
	_ =	sdelay $0x4  }
0x117: {  	v0 =	vmul.f32 v62, v0;
	_ =	sdelay $0x1  }
0x118: {  	[tilespmem:s28+$0xC00] =	vst v0  }
0x119: {  	v0 =	vld [tilespmem:s30+$0x1090]  }
0x11a: {  	v63 =	vld [tilespmem:s29+$0x7890];
	_ =	sdelay $0x1  }
0x11b: {  	p0 =	sne.s32 s24, $0x16C00  }
.Ltmp0:
0x11c: {  	_ = 	snop;
	(pc) =	sbr.rel @p0 .LBB2_3-.Ltmp0, $4  }
0x11d: {  	_ = 	snop  }
0x11e: {  	v0 =	vmul.f32 v63, v0  }
0x11f: {  	s25 =	sadd.s32 $0x1A, s25  }
0x120: {  	s26 =	sadd.s32 $0x1A, s26;
	s24 =	sadd.s32 $0x3400, s24;
	[tilespmem:s28+$0xC10] =	vst v0;
	s28 =	sadd.s32 $0x80, s28  }
0x121: {  	s23 =	smul.u32 $0x380, s23;
	s22 =	sadd.s32 $0x1, s22  }
0x122: {  	p0 =	sne.s32 s22, $0x40  }
.Ltmp1:
0x123: {  	s23 =	sadd.s32 s9, s23;
	(pc) =	sbr.rel @p0 .LBB2_2-.Ltmp1, $4  }
0x124: {  	[hbm4b:s23+s2] =	stream.linear.scatter [tilespmem:s20], [sflag:$0x2], $0x1C00, $0x38;
	[tilespmem:$0xF000] =	vst v63  }
0x125: {  	_ =	swait.ge [sflag:s12], $0x1C00  }
0x126: {  	[sflag:s12] =	ssyncset.done $0x0  }
0x127: {  	[sflag:s12] =	ssyncadd.s32 $0xFFFFE400  }
0x128: {  	s21 =	sadd.s32 $0x1, s21  }
0x129: {  	p0 =	sne.s32 s21, s11  }
.Ltmp2:
0x12a: {  	_ = 	snop;
	(pc) =	sbr.rel @p0 .LBB2_1-.Ltmp2, $1  }
0x12b: {  	_ =	sdelay $0x3  }
0x12c: {  	_ =	sfence.sel $0x180000  }
0x12d: {  	[bflag:$0x0] =	sbarrier.arrive $0xFFFF  }
0x12e: {  	p0 =	sne.s32 s6, $0x0;
	_ =	strace $0x90000047  }
0x12f: {  	s0 =	sadd.s32 @!p0 $0x100000, s0;
	[bflag:$0x2] =	sbarrier.arrive $0xFFFF  }
0x130: {  	[sflag:s0] =	ssyncadd.tile.s32 @!p0 $0x1;
	_ =	shalt  }
.Lfunc_end2:
_tile_overlayer_lowered:
.L_overlay_start_2:
0x131: {  	(tag) =	ssettag $0x2  }
0x132: {  	s0 =	rddreg [dreg:$0x0];
	s2 =	stileid.u32  }
0x133: {  	s1 =	rddreg [dreg:$0x1];
	p0 =	sne.s32 s2, $0x0  }
0x134: {  	s3 =	rddreg [dreg:$0x2];
	[bflag:$0x3] =	sbarrier.arrive $0xFFFF;
	s2 =	simm.s32 @!p0 $0x1C02  }
0x135: {  	[timem:s3], [sflag:s2] =	dma.local @!p0 [hbm:s0], s1  }
0x136: {  	s0 =	simm.s32 @!p0 $0x2  }
0x137: {  	_ =	swait.ge @!p0 [sflag:s0], s1  }
0x138: {  	s1 =	ssub.s32 @!p0 $0x0, s1;
	[sflag:s0] =	ssyncset.done @!p0 $0x0  }
0x139: {  	[sflag:s0] =	ssyncadd.s32 @!p0 s1  }
0x13a: {  	[bflag:$0x3] =	sbarrier.arrive $0xFFFF  }
0x13b: {  	_ =	shalt  }

</sc_bundles>
